<compile_context>
chip_gen: v7x
topology: tpu7x:2x2x1
jax: 0.10.2.dev20260603
libtpu: 0.0.44.dev20260713+nightly
codegen_flags: <defaults>
</compile_context>

<pallas_src>
import functools

import jax
import jax.numpy as jnp
from jax import lax
from jax.experimental import pallas as pl
from jax.experimental.pallas import tpu as pltpu
from jax.experimental.pallas import tpu_sc as plsc

B = 8192
D_IN = 2048
H = 128
H2 = 64
D_OUT = 1024
E = 8
GH = 64

BT = 512
TS = 256
NA = 2 * B
G = NA // TS + E
PPAD = G * TS
NW = 32
CH = NA // NW
SUB = 16
SUBD = 32


def _gate_kernel(x_ref, gW1_ref, gb1_ref, gW2_ref, gb2_ref,
                 ti_ref, tw_ref):
    xt = x_ref[:]
    gh = jnp.maximum(
        jnp.dot(xt, gW1_ref[:], preferred_element_type=jnp.float32)
        + gb1_ref[:][None, :], 0.0)
    logits = jnp.dot(gh, gW2_ref[:], preferred_element_type=jnp.float32) \
        + gb2_ref[:][None, :]
    eids = lax.broadcasted_iota(jnp.int32, (BT, E), 1)
    i1 = jnp.argmax(logits, axis=-1).astype(jnp.int32)
    v1 = jnp.max(logits, axis=-1)
    masked = jnp.where(eids == i1[:, None], -jnp.inf, logits)
    i2 = jnp.argmax(masked, axis=-1).astype(jnp.int32)
    v2 = jnp.max(masked, axis=-1)
    g1 = jax.nn.sigmoid(v1 - v2)
    ti_ref[:] = jnp.concatenate([i1[:, None], i2[:, None]], axis=1)
    tw_ref[:] = jnp.concatenate([g1[:, None], (1.0 - g1)[:, None]], axis=1)


def _route_kernel(e2_ref, pos_ref, te_ref):
    ef = e2_ref[:]
    r = lax.broadcasted_iota(jnp.int32, (128, 128), 0)
    c = lax.broadcasted_iota(jnp.int32, (128, 128), 1)
    t_incl = (r <= c).astype(jnp.bfloat16)
    l_strict = (c < r).astype(jnp.float32)
    withins, sums = [], []
    for e in range(E):
        ae = (ef == e).astype(jnp.bfloat16)
        w = jnp.dot(ae, t_incl, preferred_element_type=jnp.float32)
        withins.append(w)
        sums.append(w[:, 127:128])
    s = jnp.concatenate(sums, axis=1)
    cp = jnp.dot(l_strict, s, preferred_element_type=jnp.float32)
    totals = cp[127:128, :] + s[127:128, :]
    pad = jnp.floor((totals + (TS - 1)) / TS) * TS
    posf = jnp.zeros((128, 128), dtype=jnp.float32)
    run = jnp.zeros((1, 1), dtype=jnp.float32)
    gi = lax.broadcasted_iota(jnp.int32, (1, 128), 1).astype(jnp.float32) * TS
    te_acc = jnp.zeros((1, 128), dtype=jnp.float32)
    for e in range(E):
        start = run
        run = run + pad[:, e:e + 1]
        ae = (ef == e).astype(jnp.float32)
        rank_incl = withins[e] + cp[:, e:e + 1]
        posf = posf + ae * (rank_incl - 1.0 + start)
        te_acc = te_acc + (gi >= run).astype(jnp.float32)
    pos_ref[:] = posf.astype(jnp.int32)
    te_ref[:] = jnp.minimum(te_acc, float(E - 1)).astype(jnp.int32)


def _dispatch_body(x_hbm, tok_hbm, pos_hbm, xs_hbm, tokv, posv, buf,
                   semg, semsc):
    wid = lax.axis_index("s") * 2 + lax.axis_index("c")
    pltpu.sync_copy(tok_hbm.at[wid], tokv)
    pltpu.sync_copy(pos_hbm.at[wid], posv)
    nstep = CH // SUB

    def start_g(s, slot):
        pltpu.async_copy(x_hbm.at[tokv.at[pl.ds(s * SUB, SUB)]],
                         buf.at[slot], semg)

    def wait_g():
        pltpu.make_async_copy(x_hbm.at[tokv.at[pl.ds(0, SUB)]],
                              buf.at[0], semg).wait()

    def start_s(s, slot):
        pltpu.async_copy(buf.at[slot], xs_hbm.at[posv.at[s]], semsc)

    def wait_s():
        pltpu.make_async_copy(buf.at[0], xs_hbm.at[posv.at[0]], semsc).wait()

    start_g(0, 0)

    def body(t, _):
        for u in range(2):
            s = 2 * t + u

            @pl.when(s >= 1)
            def _():
                wait_s()

            @pl.when(s + 1 < nstep)
            def _():
                start_g(s + 1, 1 - u)

            wait_g()
            start_s(s, u)
        return 0

    lax.fori_loop(0, nstep // 2, body, 0)
    wait_s()


def _dispatch(x, tok2, pos3):
    mesh = plsc.VectorSubcoreMesh(core_axis_name="c", subcore_axis_name="s")
    return pl.kernel(
        _dispatch_body,
        jax.ShapeDtypeStruct((PPAD, D_IN), jnp.float32),
        mesh=mesh,
        scratch_types=[
            pltpu.VMEM((CH,), jnp.int32),
            pltpu.VMEM((CH // SUB, SUB), jnp.int32),
            pltpu.VMEM((2, SUB, D_IN), jnp.float32),
            pltpu.SemaphoreType.DMA,
            pltpu.SemaphoreType.DMA,
        ],
    )(x, tok2, pos3)


def _ffn_kernel(te_ref, xs_ref, W1_ref, b1_ref, W2_ref, b2_ref,
                W3_ref, b3_ref, ys_ref):
    e = te_ref[pl.program_id(0)]
    xt = xs_ref[:].astype(jnp.bfloat16)
    h1 = jnp.maximum(
        jnp.dot(xt, W1_ref[e], preferred_element_type=jnp.float32)
        + b1_ref[e][None, :], 0.0)
    h2 = jnp.maximum(
        jnp.dot(h1.astype(jnp.bfloat16), W2_ref[e],
                preferred_element_type=jnp.float32)
        + b2_ref[e][None, :], 0.0)
    y = jnp.dot(h2.astype(jnp.bfloat16), W3_ref[e],
                preferred_element_type=jnp.float32) + b3_ref[e][None, :]
    ys_ref[:] = y


def _ungather_body(ys_hbm, pos_hbm, ya_hbm, posv, buf, semg, semw):
    wid = lax.axis_index("s") * 2 + lax.axis_index("c")
    base = wid * CH
    pltpu.sync_copy(pos_hbm.at[pl.ds(base, CH)], posv)
    nstep = CH // SUBD

    def start_g(s, slot):
        pltpu.async_copy(ys_hbm.at[posv.at[pl.ds(s * SUBD, SUBD)]],
                         buf.at[slot], semg)

    def wait_g():
        pltpu.make_async_copy(ys_hbm.at[posv.at[pl.ds(0, SUBD)]],
                              buf.at[0], semg).wait()

    def start_w(s, slot):
        pltpu.async_copy(buf.at[slot],
                         ya_hbm.at[pl.ds(base + s * SUBD, SUBD)], semw)

    def wait_w():
        pltpu.make_async_copy(buf.at[0], ya_hbm.at[pl.ds(base, SUBD)],
                              semw).wait()

    start_g(0, 0)

    def body(t, _):
        for u in range(2):
            s = 2 * t + u

            @pl.when(s >= 1)
            def _():
                wait_w()

            @pl.when(s + 1 < nstep)
            def _():
                start_g(s + 1, 1 - u)

            wait_g()
            start_w(s, u)
        return 0

    lax.fori_loop(0, nstep // 2, body, 0)
    wait_w()


def _ungather(ys, pos1):
    mesh = plsc.VectorSubcoreMesh(core_axis_name="c", subcore_axis_name="s")
    return pl.kernel(
        _ungather_body,
        jax.ShapeDtypeStruct((NA, D_OUT), jnp.float32),
        mesh=mesh,
        scratch_types=[
            pltpu.VMEM((CH,), jnp.int32),
            pltpu.VMEM((2, SUBD, D_OUT), jnp.float32),
            pltpu.SemaphoreType.DMA,
            pltpu.SemaphoreType.DMA,
        ],
    )(ys, pos1)


def _combine_kernel(y0_ref, y1_ref, tw_ref, out_ref):
    w = tw_ref[:]
    out_ref[:] = w[:, 0:1] * y0_ref[:] + w[:, 1:2] * y1_ref[:]


@jax.jit
def kernel(x, gW1, gb1, gW2, gb2, W1, b1, W2, b2, W3, b3):
    full = lambda shape: pl.BlockSpec(shape, lambda i: (0,) * len(shape))
    ti, tw = pl.pallas_call(
        _gate_kernel,
        grid=(B // BT,),
        in_specs=[pl.BlockSpec((BT, D_IN), lambda i: (i, 0)),
                  full((D_IN, GH)), full((GH,)), full((GH, E)), full((E,))],
        out_specs=[pl.BlockSpec((BT, 2), lambda i: (i, 0)),
                   pl.BlockSpec((BT, 2), lambda i: (i, 0))],
        out_shape=[jax.ShapeDtypeStruct((B, 2), jnp.int32),
                   jax.ShapeDtypeStruct((B, 2), jnp.float32)],
    )(x, gW1, gb1, gW2, gb2)

    e2 = jnp.concatenate([ti[:, 0], ti[:, 1]]).reshape(128, 128)
    pos2, te2 = pl.pallas_call(
        _route_kernel,
        in_specs=[pl.BlockSpec((128, 128), lambda: (0, 0))],
        out_specs=[pl.BlockSpec((128, 128), lambda: (0, 0)),
                   pl.BlockSpec((1, 128), lambda: (0, 0))],
        out_shape=[jax.ShapeDtypeStruct((128, 128), jnp.int32),
                   jax.ShapeDtypeStruct((1, 128), jnp.int32)],
    )(e2)
    te = te2[0, :G]

    tok2 = (jnp.arange(NA, dtype=jnp.int32) % B).reshape(NW, CH)
    xs = _dispatch(x, tok2, pos2.reshape(NW, CH // SUB, SUB))

    W1b = W1.astype(jnp.bfloat16)
    W2b = W2.astype(jnp.bfloat16)
    W3b = W3.astype(jnp.bfloat16)
    ys = pl.pallas_call(
        _ffn_kernel,
        grid_spec=pltpu.PrefetchScalarGridSpec(
            num_scalar_prefetch=1,
            grid=(G,),
            in_specs=[pl.BlockSpec((TS, D_IN), lambda i, te_r: (i, 0)),
                      pl.BlockSpec((E, D_IN, H), lambda i, te_r: (0, 0, 0)),
                      pl.BlockSpec((E, H), lambda i, te_r: (0, 0)),
                      pl.BlockSpec((E, H, H2), lambda i, te_r: (0, 0, 0)),
                      pl.BlockSpec((E, H2), lambda i, te_r: (0, 0)),
                      pl.BlockSpec((E, H2, D_OUT), lambda i, te_r: (0, 0, 0)),
                      pl.BlockSpec((E, D_OUT), lambda i, te_r: (0, 0))],
            out_specs=pl.BlockSpec((TS, D_OUT), lambda i, te_r: (i, 0)),
        ),
        out_shape=jax.ShapeDtypeStruct((PPAD, D_OUT), jnp.float32),
    )(te, xs, W1b, b1, W2b, b2, W3b, b3)

    ya = _ungather(ys, pos2.reshape(NA))

    nb = B // BT
    out = pl.pallas_call(
        _combine_kernel,
        grid=(nb,),
        in_specs=[pl.BlockSpec((BT, D_OUT), lambda i: (i, 0)),
                  pl.BlockSpec((BT, D_OUT), lambda i: (i + nb, 0)),
                  pl.BlockSpec((BT, 2), lambda i: (i, 0))],
        out_specs=pl.BlockSpec((BT, D_OUT), lambda i: (i, 0)),
        out_shape=jax.ShapeDtypeStruct((B, D_OUT), jnp.float32),
    )(ya, ya, tw)
    return out

# --- scband reference (transcript-rebuilt; emitter-appended) ---
"""Pipeline reference for scband-net-4105988735287 (READ-ONLY COPY).

The authoritative reference and input builder live on the scoring server;
editing this copy changes nothing except your own understanding.
"""

import jax, jax.numpy as jnp
import numpy as np

B = 8192
D_IN = 2048
H = 128          # expert hidden_dim = min(128, max(32, 2048//16)) = 128
H2 = 64          # hidden_dim // 2
D_OUT = 1024
E = 8
GH = 64          # gate hidden = hidden_dim // 2
TOP_K = 2


def setup_inputs(seed: int = 0) -> dict:
    key = jax.random.key(seed)
    ks = jax.random.split(key, 12)
    x = jax.random.normal(ks[0], (B, D_IN), dtype=jnp.float32)
    # gate params
    gW1 = jax.random.normal(ks[1], (D_IN, GH), dtype=jnp.float32) * 0.02
    gb1 = jnp.zeros((GH,), dtype=jnp.float32)
    gW2 = jax.random.normal(ks[2], (GH, E), dtype=jnp.float32) * 0.02
    gb2 = jnp.zeros((E,), dtype=jnp.float32)
    # stacked expert params
    W1 = jax.random.normal(ks[3], (E, D_IN, H), dtype=jnp.float32) * 0.02
    b1 = jnp.zeros((E, H), dtype=jnp.float32)
    W2 = jax.random.normal(ks[4], (E, H, H2), dtype=jnp.float32) * 0.02
    b2 = jnp.zeros((E, H2), dtype=jnp.float32)
    W3 = jax.random.normal(ks[5], (E, H2, D_OUT), dtype=jnp.float32) * 0.02
    b3 = jnp.zeros((E, D_OUT), dtype=jnp.float32)
    return {"x": x, "gW1": gW1, "gb1": gb1, "gW2": gW2, "gb2": gb2,
            "W1": W1, "b1": b1, "W2": W2, "b2": b2, "W3": W3, "b3": b3}


def _gate(x, gW1, gb1, gW2, gb2):
    h = jax.nn.relu(x @ gW1 + gb1)
    logits = h @ gW2 + gb2
    top_v, top_i = jax.lax.top_k(logits, TOP_K)
    top_g = jax.nn.softmax(top_v, axis=-1)
    gates = jnp.zeros_like(logits).at[jnp.arange(x.shape[0])[:, None], top_i].set(top_g)
    return gates, top_i


def _expert(x, W1e, b1e, W2e, b2e, W3e, b3e):
    h = jax.nn.relu(x @ W1e + b1e)
    h = jax.nn.relu(h @ W2e + b2e)
    return h @ W3e + b3e


def reference(x, gW1, gb1, gW2, gb2, W1, b1, W2, b2, W3, b3):
    # eval mode: dropout inactive, no gate noise
    gates, top_i = _gate(x, gW1, gb1, gW2, gb2)
    # Each expert runs on the full batch (as in the torch loop); non-selected
    # experts contribute zero because their gate weight is exactly 0.
    expert_out = jax.vmap(lambda W1e, b1e, W2e, b2e, W3e, b3e: _expert(x, W1e, b1e, W2e, b2e, W3e, b3e))(W1, b1, W2, b2, W3, b3)  # [E, B, D_OUT]
    out = jnp.einsum('ebd,be->bd', expert_out, gates)
    return out

if __name__ == "__main__":
    import jax
    _d = setup_inputs()
    print(jax.jit(kernel)(*tuple(_d.values())))

</pallas_src>

<mosaic_0001>
#map = affine_map<(d0, d1) -> (0, 0)>
#map1 = affine_map<(d0, d1) -> (0)>
module attributes {stable_mosaic.version = 14 : i64} {
  func.func @_ungather_body(%arg0: i32, %arg1: i32, %arg2: memref<18432x1024xf32, #tpu.memory_space<hbm>>, %arg3: memref<16384xi32, #tpu.memory_space<hbm>>, %arg4: memref<16384x1024xf32, #tpu.memory_space<hbm>>, %arg5: memref<512xi32, #tpu.memory_space<vmem>>, %arg6: memref<2x32x1024xf32, #tpu.memory_space<vmem>>, %arg7: memref<!tpu.dma_semaphore, #tpu.memory_space<semaphore_mem>>, %arg8: memref<!tpu.dma_semaphore, #tpu.memory_space<semaphore_mem>>) attributes {dimension_semantics = [#tpu.dimension_semantics<core_parallel>, #tpu.dimension_semantics<subcore_parallel>], iteration_bounds = array<i64: 2, 16>, scalar_prefetch = 0 : i64, scratch_operands = 4 : i64, tpu.core_type = #tpu.core_type<sc_vector_subcore>, window_params = [{transform_indices = #map}, {transform_indices = #map1}, {transform_indices = #map}]} {
    %mul3A = arith.constant 2 : i32
    %mul3A_0 = arith.muli %arg1, %mul3A : i32
    %add3A = arith.addi %mul3A_0, %arg0 : i32
    %mul3A_1 = arith.constant 512 : i32
    %mul3A_2 = arith.muli %add3A, %mul3A_1 : i32
    "tpu.region"() ({
      %run_scoped3A = tpu.sem_alloc : memref<!tpu.dma_semaphore, #tpu.memory_space<semaphore_mem>>
      %dma_start3A_30 = tpu.memref_slice %arg3[%mul3A_2] : memref<16384xi32, #tpu.memory_space<hbm>> -> memref<512xi32, #tpu.memory_space<hbm>>
      %dma_start3A_31 = tpu.memref_slice %arg3[%mul3A_2] : memref<16384xi32, #tpu.memory_space<hbm>> -> memref<512xi32, #tpu.memory_space<hbm>>
      tpu.enqueue_dma source(%dma_start3A_31 : memref<512xi32, #tpu.memory_space<hbm>>) target(%arg5 : memref<512xi32, #tpu.memory_space<vmem>>) target_semaphore(%run_scoped3A : memref<!tpu.dma_semaphore, #tpu.memory_space<semaphore_mem>>)
      %dma_wait3A_32 = tpu.memref_slice %arg3[%mul3A_2] : memref<16384xi32, #tpu.memory_space<hbm>> -> memref<512xi32, #tpu.memory_space<hbm>>
      %dma_wait3A_33 = tpu.memref_slice %arg3[%mul3A_2] : memref<16384xi32, #tpu.memory_space<hbm>> -> memref<512xi32, #tpu.memory_space<hbm>>
      tpu.wait_dma2 semaphore(%run_scoped3A : memref<!tpu.dma_semaphore, #tpu.memory_space<semaphore_mem>>) src(%dma_wait3A_33 : memref<512xi32, #tpu.memory_space<hbm>>) dst(%arg5 : memref<512xi32, #tpu.memory_space<vmem>>)
      tpu.yield
    }) : () -> ()
    %dma_start3A = arith.constant 0 : i32
    %dma_start3A_3 = arith.constant 0 : i32
    %dma_start3A_4 = arith.constant 0 : i32
    %dma_start3A_5 = tpu.memref_slice %arg6[%dma_start3A, %dma_start3A_3, %dma_start3A_4] : memref<2x32x1024xf32, #tpu.memory_space<vmem>> -> memref<1x32x1024xf32, #tpu.memory_space<vmem>>
    %dma_start3A_6 = tpu.memref_squeeze %dma_start3A_5 : memref<1x32x1024xf32, #tpu.memory_space<vmem>> -> memref<32x1024xf32, #tpu.memory_space<vmem>>
    %dma_start3A_7 = arith.constant 0 : i32
    %dma_start3A_8 = tpu.memref_slice %arg5[%dma_start3A_7] : memref<512xi32, #tpu.memory_space<vmem>> -> memref<32xi32, #tpu.memory_space<vmem>>
    %dma_start3A_9 = arith.constant 0 : i32
    %dma_start3A_10 = arith.constant 0 : i32
    %dma_start3A_11 = tpu.memref_slice %arg2[%dma_start3A_9, %dma_start3A_10] : memref<18432x1024xf32, #tpu.memory_space<hbm>> -> memref<18432x1024xf32, #tpu.memory_space<hbm>>
    tpu.enqueue_indirect_dma source(%dma_start3A_11 : memref<18432x1024xf32, #tpu.memory_space<hbm>>) target(%dma_start3A_6 : memref<32x1024xf32, #tpu.memory_space<vmem>>) offsets(%dma_start3A_8 : memref<32xi32, #tpu.memory_space<vmem>>) semaphore(%arg7 : memref<!tpu.dma_semaphore, #tpu.memory_space<semaphore_mem>>)
    %scan3A = arith.constant 0 : i32
    %scan3A_12 = arith.constant 0 : i32
    %scan3A_13 = arith.constant 8 : i32
    %scan3A_14 = arith.addi %scan3A_12, %scan3A_13 : i32
    %scan3A_15 = arith.constant 1 : i32
    %scan3A_16 = scf.for %scan3A_30 = %scan3A_12 to %scan3A_14 step %scan3A_15 iter_args(%scan3A_31 = %scan3A) -> (i32)  : i32 {
      %mul3A_32 = arith.constant 2 : i32
      %mul3A_33 = arith.muli %mul3A_32, %scan3A_30 : i32
      %add3A_34 = arith.constant 0 : i32
      %add3A_35 = arith.addi %mul3A_33, %add3A_34 : i32
      %ge3A = arith.constant 1 : i32
      %ge3A_36 = arith.cmpi sge, %add3A_35, %ge3A : i32
      %convert_element_type3A = arith.extui %ge3A_36 : i1 to i32
      %cond3A = arith.constant 0 : i32
      %cond3A_37 = arith.cmpi ne, %convert_element_type3A, %cond3A : i32
      scf.if %cond3A_37 {
        %dma_wait3A_113 = arith.constant 0 : i32
        %dma_wait3A_114 = arith.constant 0 : i32
        %dma_wait3A_115 = arith.constant 0 : i32
        %dma_wait3A_116 = tpu.memref_slice %arg6[%dma_wait3A_113, %dma_wait3A_114, %dma_wait3A_115] : memref<2x32x1024xf32, #tpu.memory_space<vmem>> -> memref<1x32x1024xf32, #tpu.memory_space<vmem>>
        %dma_wait3A_117 = tpu.memref_squeeze %dma_wait3A_116 : memref<1x32x1024xf32, #tpu.memory_space<vmem>> -> memref<32x1024xf32, #tpu.memory_space<vmem>>
        %dma_wait3A_118 = arith.constant 0 : i32
        %dma_wait3A_119 = tpu.memref_slice %arg4[%mul3A_2, %dma_wait3A_118] : memref<16384x1024xf32, #tpu.memory_space<hbm>> -> memref<32x1024xf32, #tpu.memory_space<hbm>>
        %dma_wait3A_120 = arith.constant 0 : i32
        %dma_wait3A_121 = tpu.memref_slice %arg4[%mul3A_2, %dma_wait3A_120] : memref<16384x1024xf32, #tpu.memory_space<hbm>> -> memref<32x1024xf32, #tpu.memory_space<hbm>>
        %dma_wait3A_122 = arith.constant 0 : i32
        %dma_wait3A_123 = arith.constant 0 : i32
        %dma_wait3A_124 = tpu.memref_slice %arg6[%dma_wait3A_113, %dma_wait3A_122, %dma_wait3A_123] : memref<2x32x1024xf32, #tpu.memory_space<vmem>> -> memref<1x32x1024xf32, #tpu.memory_space<vmem>>
        %dma_wait3A_125 = tpu.memref_squeeze %dma_wait3A_124 : memref<1x32x1024xf32, #tpu.memory_space<vmem>> -> memref<32x1024xf32, #tpu.memory_space<vmem>>
        tpu.wait_dma2 semaphore(%arg8 : memref<!tpu.dma_semaphore, #tpu.memory_space<semaphore_mem>>) src(%dma_wait3A_125 : memref<32x1024xf32, #tpu.memory_space<vmem>>) dst(%dma_wait3A_121 : memref<32x1024xf32, #tpu.memory_space<hbm>>)
      } else {
      }
      %add3A_38 = arith.constant 1 : i32
      %add3A_39 = arith.addi %add3A_35, %add3A_38 : i32
      %lt3A = arith.constant 16 : i32
      %lt3A_40 = arith.cmpi slt, %add3A_39, %lt3A : i32
      %convert_element_type3A_41 = arith.extui %lt3A_40 : i1 to i32
      %cond3A_42 = arith.constant 0 : i32
      %cond3A_43 = arith.cmpi ne, %convert_element_type3A_41, %cond3A_42 : i32
      scf.if %cond3A_43 {
        %add3A_113 = arith.constant 1 : i32
        %add3A_114 = arith.addi %add3A_35, %add3A_113 : i32
        %mul3A_115 = arith.constant 32 : i32
        %mul3A_116 = arith.muli %add3A_114, %mul3A_115 : i32
        %dma_start3A_117 = arith.constant 1 : i32
        %dma_start3A_118 = arith.constant 0 : i32
        %dma_start3A_119 = arith.constant 0 : i32
        %dma_start3A_120 = tpu.memref_slice %arg6[%dma_start3A_117, %dma_start3A_118, %dma_start3A_119] : memref<2x32x1024xf32, #tpu.memory_space<vmem>> -> memref<1x32x1024xf32, #tpu.memory_space<vmem>>
        %dma_start3A_121 = tpu.memref_squeeze %dma_start3A_120 : memref<1x32x1024xf32, #tpu.memory_space<vmem>> -> memref<32x1024xf32, #tpu.memory_space<vmem>>
        %dma_start3A_122 = tpu.memref_slice %arg5[%mul3A_116] : memref<512xi32, #tpu.memory_space<vmem>> -> memref<32xi32, #tpu.memory_space<vmem>>
        %dma_start3A_123 = arith.constant 0 : i32
        %dma_start3A_124 = arith.constant 0 : i32
        %dma_start3A_125 = tpu.memref_slice %arg2[%dma_start3A_123, %dma_start3A_124] : memref<18432x1024xf32, #tpu.memory_space<hbm>> -> memref<18432x1024xf32, #tpu.memory_space<hbm>>
        tpu.enqueue_indirect_dma source(%dma_start3A_125 : memref<18432x1024xf32, #tpu.memory_space<hbm>>) target(%dma_start3A_121 : memref<32x1024xf32, #tpu.memory_space<vmem>>) offsets(%dma_start3A_122 : memref<32xi32, #tpu.memory_space<vmem>>) semaphore(%arg7 : memref<!tpu.dma_semaphore, #tpu.memory_space<semaphore_mem>>)
      } else {
      }
      %dma_wait3A_44 = arith.constant 0 : i32
      %dma_wait3A_45 = arith.constant 0 : i32
      %dma_wait3A_46 = arith.constant 0 : i32
      %dma_wait3A_47 = tpu.memref_slice %arg6[%dma_wait3A_44, %dma_wait3A_45, %dma_wait3A_46] : memref<2x32x1024xf32, #tpu.memory_space<vmem>> -> memref<1x32x1024xf32, #tpu.memory_space<vmem>>
      %dma_wait3A_48 = tpu.memref_squeeze %dma_wait3A_47 : memref<1x32x1024xf32, #tpu.memory_space<vmem>> -> memref<32x1024xf32, #tpu.memory_space<vmem>>
      %dma_wait3A_49 = arith.constant 0 : i32
      %dma_wait3A_50 = tpu.memref_slice %arg5[%dma_wait3A_49] : memref<512xi32, #tpu.memory_space<vmem>> -> memref<32xi32, #tpu.memory_space<vmem>>
      %dma_wait3A_51 = arith.constant 0 : i32
      %dma_wait3A_52 = arith.constant 0 : i32
      %dma_wait3A_53 = tpu.memref_slice %arg2[%dma_wait3A_51, %dma_wait3A_52] : memref<18432x1024xf32, #tpu.memory_space<hbm>> -> memref<18432x1024xf32, #tpu.memory_space<hbm>>
      tpu.wait_indirect_dma semaphore(%arg7 : memref<!tpu.dma_semaphore, #tpu.memory_space<semaphore_mem>>) src(%dma_wait3A_53 : memref<18432x1024xf32, #tpu.memory_space<hbm>>) dst(%dma_wait3A_48 : memref<32x1024xf32, #tpu.memory_space<vmem>>)
      %mul3A_54 = arith.constant 32 : i32
      %mul3A_55 = arith.muli %add3A_35, %mul3A_54 : i32
      %add3A_56 = arith.addi %mul3A_2, %mul3A_55 : i32
      %dma_start3A_57 = arith.constant 0 : i32
      %dma_start3A_58 = arith.constant 0 : i32
      %dma_start3A_59 = arith.constant 0 : i32
      %dma_start3A_60 = tpu.memref_slice %arg6[%dma_start3A_57, %dma_start3A_58, %dma_start3A_59] : memref<2x32x1024xf32, #tpu.memory_space<vmem>> -> memref<1x32x1024xf32, #tpu.memory_space<vmem>>
      %dma_start3A_61 = tpu.memref_squeeze %dma_start3A_60 : memref<1x32x1024xf32, #tpu.memory_space<vmem>> -> memref<32x1024xf32, #tpu.memory_space<vmem>>
      %dma_start3A_62 = arith.constant 0 : i32
      %dma_start3A_63 = tpu.memref_slice %arg4[%add3A_56, %dma_start3A_62] : memref<16384x1024xf32, #tpu.memory_space<hbm>> -> memref<32x1024xf32, #tpu.memory_space<hbm>>
      %dma_start3A_64 = arith.constant 0 : i32
      %dma_start3A_65 = tpu.memref_slice %arg4[%add3A_56, %dma_start3A_64] : memref<16384x1024xf32, #tpu.memory_space<hbm>> -> memref<32x1024xf32, #tpu.memory_space<hbm>>
      %dma_start3A_66 = arith.constant 0 : i32
      %dma_start3A_67 = arith.constant 0 : i32
      %dma_start3A_68 = tpu.memref_slice %arg6[%dma_start3A_57, %dma_start3A_66, %dma_start3A_67] : memref<2x32x1024xf32, #tpu.memory_space<vmem>> -> memref<1x32x1024xf32, #tpu.memory_space<vmem>>
      %dma_start3A_69 = tpu.memref_squeeze %dma_start3A_68 : memref<1x32x1024xf32, #tpu.memory_space<vmem>> -> memref<32x1024xf32, #tpu.memory_space<vmem>>
      tpu.enqueue_dma source(%dma_start3A_69 : memref<32x1024xf32, #tpu.memory_space<vmem>>) target(%dma_start3A_65 : memref<32x1024xf32, #tpu.memory_space<hbm>>) target_semaphore(%arg8 : memref<!tpu.dma_semaphore, #tpu.memory_space<semaphore_mem>>)
      %mul3A_70 = arith.constant 2 : i32
      %mul3A_71 = arith.muli %mul3A_70, %scan3A_30 : i32
      %add3A_72 = arith.constant 1 : i32
      %add3A_73 = arith.addi %mul3A_71, %add3A_72 : i32
      %ge3A_74 = arith.constant 1 : i32
      %ge3A_75 = arith.cmpi sge, %add3A_73, %ge3A_74 : i32
      %convert_element_type3A_76 = arith.extui %ge3A_75 : i1 to i32
      %cond3A_77 = arith.constant 0 : i32
      %cond3A_78 = arith.cmpi ne, %convert_element_type3A_76, %cond3A_77 : i32
      scf.if %cond3A_78 {
        %dma_wait3A_113 = arith.constant 0 : i32
        %dma_wait3A_114 = arith.constant 0 : i32
        %dma_wait3A_115 = arith.constant 0 : i32
        %dma_wait3A_116 = tpu.memref_slice %arg6[%dma_wait3A_113, %dma_wait3A_114, %dma_wait3A_115] : memref<2x32x1024xf32, #tpu.memory_space<vmem>> -> memref<1x32x1024xf32, #tpu.memory_space<vmem>>
        %dma_wait3A_117 = tpu.memref_squeeze %dma_wait3A_116 : memref<1x32x1024xf32, #tpu.memory_space<vmem>> -> memref<32x1024xf32, #tpu.memory_space<vmem>>
        %dma_wait3A_118 = arith.constant 0 : i32
        %dma_wait3A_119 = tpu.memref_slice %arg4[%mul3A_2, %dma_wait3A_118] : memref<16384x1024xf32, #tpu.memory_space<hbm>> -> memref<32x1024xf32, #tpu.memory_space<hbm>>
        %dma_wait3A_120 = arith.constant 0 : i32
        %dma_wait3A_121 = tpu.memref_slice %arg4[%mul3A_2, %dma_wait3A_120] : memref<16384x1024xf32, #tpu.memory_space<hbm>> -> memref<32x1024xf32, #tpu.memory_space<hbm>>
        %dma_wait3A_122 = arith.constant 0 : i32
        %dma_wait3A_123 = arith.constant 0 : i32
        %dma_wait3A_124 = tpu.memref_slice %arg6[%dma_wait3A_113, %dma_wait3A_122, %dma_wait3A_123] : memref<2x32x1024xf32, #tpu.memory_space<vmem>> -> memref<1x32x1024xf32, #tpu.memory_space<vmem>>
        %dma_wait3A_125 = tpu.memref_squeeze %dma_wait3A_124 : memref<1x32x1024xf32, #tpu.memory_space<vmem>> -> memref<32x1024xf32, #tpu.memory_space<vmem>>
        tpu.wait_dma2 semaphore(%arg8 : memref<!tpu.dma_semaphore, #tpu.memory_space<semaphore_mem>>) src(%dma_wait3A_125 : memref<32x1024xf32, #tpu.memory_space<vmem>>) dst(%dma_wait3A_121 : memref<32x1024xf32, #tpu.memory_space<hbm>>)
      } else {
      }
      %add3A_79 = arith.constant 1 : i32
      %add3A_80 = arith.addi %add3A_73, %add3A_79 : i32
      %lt3A_81 = arith.constant 16 : i32
      %lt3A_82 = arith.cmpi slt, %add3A_80, %lt3A_81 : i32
      %convert_element_type3A_83 = arith.extui %lt3A_82 : i1 to i32
      %cond3A_84 = arith.constant 0 : i32
      %cond3A_85 = arith.cmpi ne, %convert_element_type3A_83, %cond3A_84 : i32
      scf.if %cond3A_85 {
        %add3A_113 = arith.constant 1 : i32
        %add3A_114 = arith.addi %add3A_73, %add3A_113 : i32
        %mul3A_115 = arith.constant 32 : i32
        %mul3A_116 = arith.muli %add3A_114, %mul3A_115 : i32
        %dma_start3A_117 = arith.constant 0 : i32
        %dma_start3A_118 = arith.constant 0 : i32
        %dma_start3A_119 = arith.constant 0 : i32
        %dma_start3A_120 = tpu.memref_slice %arg6[%dma_start3A_117, %dma_start3A_118, %dma_start3A_119] : memref<2x32x1024xf32, #tpu.memory_space<vmem>> -> memref<1x32x1024xf32, #tpu.memory_space<vmem>>
        %dma_start3A_121 = tpu.memref_squeeze %dma_start3A_120 : memref<1x32x1024xf32, #tpu.memory_space<vmem>> -> memref<32x1024xf32, #tpu.memory_space<vmem>>
        %dma_start3A_122 = tpu.memref_slice %arg5[%mul3A_116] : memref<512xi32, #tpu.memory_space<vmem>> -> memref<32xi32, #tpu.memory_space<vmem>>
        %dma_start3A_123 = arith.constant 0 : i32
        %dma_start3A_124 = arith.constant 0 : i32
        %dma_start3A_125 = tpu.memref_slice %arg2[%dma_start3A_123, %dma_start3A_124] : memref<18432x1024xf32, #tpu.memory_space<hbm>> -> memref<18432x1024xf32, #tpu.memory_space<hbm>>
        tpu.enqueue_indirect_dma source(%dma_start3A_125 : memref<18432x1024xf32, #tpu.memory_space<hbm>>) target(%dma_start3A_121 : memref<32x1024xf32, #tpu.memory_space<vmem>>) offsets(%dma_start3A_122 : memref<32xi32, #tpu.memory_space<vmem>>) semaphore(%arg7 : memref<!tpu.dma_semaphore, #tpu.memory_space<semaphore_mem>>)
      } else {
      }
      %dma_wait3A_86 = arith.constant 0 : i32
      %dma_wait3A_87 = arith.constant 0 : i32
      %dma_wait3A_88 = arith.constant 0 : i32
      %dma_wait3A_89 = tpu.memref_slice %arg6[%dma_wait3A_86, %dma_wait3A_87, %dma_wait3A_88] : memref<2x32x1024xf32, #tpu.memory_space<vmem>> -> memref<1x32x1024xf32, #tpu.memory_space<vmem>>
      %dma_wait3A_90 = tpu.memref_squeeze %dma_wait3A_89 : memref<1x32x1024xf32, #tpu.memory_space<vmem>> -> memref<32x1024xf32, #tpu.memory_space<vmem>>
      %dma_wait3A_91 = arith.constant 0 : i32
      %dma_wait3A_92 = tpu.memref_slice %arg5[%dma_wait3A_91] : memref<512xi32, #tpu.memory_space<vmem>> -> memref<32xi32, #tpu.memory_space<vmem>>
      %dma_wait3A_93 = arith.constant 0 : i32
      %dma_wait3A_94 = arith.constant 0 : i32
      %dma_wait3A_95 = tpu.memref_slice %arg2[%dma_wait3A_93, %dma_wait3A_94] : memref<18432x1024xf32, #tpu.memory_space<hbm>> -> memref<18432x1024xf32, #tpu.memory_space<hbm>>
      tpu.wait_indirect_dma semaphore(%arg7 : memref<!tpu.dma_semaphore, #tpu.memory_space<semaphore_mem>>) src(%dma_wait3A_95 : memref<18432x1024xf32, #tpu.memory_space<hbm>>) dst(%dma_wait3A_90 : memref<32x1024xf32, #tpu.memory_space<vmem>>)
      %mul3A_96 = arith.constant 32 : i32
      %mul3A_97 = arith.muli %add3A_73, %mul3A_96 : i32
      %add3A_98 = arith.addi %mul3A_2, %mul3A_97 : i32
      %dma_start3A_99 = arith.constant 1 : i32
      %dma_start3A_100 = arith.constant 0 : i32
      %dma_start3A_101 = arith.constant 0 : i32
      %dma_start3A_102 = tpu.memref_slice %arg6[%dma_start3A_99, %dma_start3A_100, %dma_start3A_101] : memref<2x32x1024xf32, #tpu.memory_space<vmem>> -> memref<1x32x1024xf32, #tpu.memory_space<vmem>>
      %dma_start3A_103 = tpu.memref_squeeze %dma_start3A_102 : memref<1x32x1024xf32, #tpu.memory_space<vmem>> -> memref<32x1024xf32, #tpu.memory_space<vmem>>
      %dma_start3A_104 = arith.constant 0 : i32
      %dma_start3A_105 = tpu.memref_slice %arg4[%add3A_98, %dma_start3A_104] : memref<16384x1024xf32, #tpu.memory_space<hbm>> -> memref<32x1024xf32, #tpu.memory_space<hbm>>
      %dma_start3A_106 = arith.constant 0 : i32
      %dma_start3A_107 = tpu.memref_slice %arg4[%add3A_98, %dma_start3A_106] : memref<16384x1024xf32, #tpu.memory_space<hbm>> -> memref<32x1024xf32, #tpu.memory_space<hbm>>
      %dma_start3A_108 = arith.constant 0 : i32
      %dma_start3A_109 = arith.constant 0 : i32
      %dma_start3A_110 = tpu.memref_slice %arg6[%dma_start3A_99, %dma_start3A_108, %dma_start3A_109] : memref<2x32x1024xf32, #tpu.memory_space<vmem>> -> memref<1x32x1024xf32, #tpu.memory_space<vmem>>
      %dma_start3A_111 = tpu.memref_squeeze %dma_start3A_110 : memref<1x32x1024xf32, #tpu.memory_space<vmem>> -> memref<32x1024xf32, #tpu.memory_space<vmem>>
      tpu.enqueue_dma source(%dma_start3A_111 : memref<32x1024xf32, #tpu.memory_space<vmem>>) target(%dma_start3A_107 : memref<32x1024xf32, #tpu.memory_space<hbm>>) target_semaphore(%arg8 : memref<!tpu.dma_semaphore, #tpu.memory_space<semaphore_mem>>)
      %scan3A_112 = arith.constant 0 : i32
      scf.yield %scan3A_112 : i32
    }
    %scan3A_17 = arith.constant 8 : i32
    %dma_wait3A = arith.constant 0 : i32
    %dma_wait3A_18 = arith.constant 0 : i32
    %dma_wait3A_19 = arith.constant 0 : i32
    %dma_wait3A_20 = tpu.memref_slice %arg6[%dma_wait3A, %dma_wait3A_18, %dma_wait3A_19] : memref<2x32x1024xf32, #tpu.memory_space<vmem>> -> memref<1x32x1024xf32, #tpu.memory_space<vmem>>
    %dma_wait3A_21 = tpu.memref_squeeze %dma_wait3A_20 : memref<1x32x1024xf32, #tpu.memory_space<vmem>> -> memref<32x1024xf32, #tpu.memory_space<vmem>>
    %dma_wait3A_22 = arith.constant 0 : i32
    %dma_wait3A_23 = tpu.memref_slice %arg4[%mul3A_2, %dma_wait3A_22] : memref<16384x1024xf32, #tpu.memory_space<hbm>> -> memref<32x1024xf32, #tpu.memory_space<hbm>>
    %dma_wait3A_24 = arith.constant 0 : i32
    %dma_wait3A_25 = tpu.memref_slice %arg4[%mul3A_2, %dma_wait3A_24] : memref<16384x1024xf32, #tpu.memory_space<hbm>> -> memref<32x1024xf32, #tpu.memory_space<hbm>>
    %dma_wait3A_26 = arith.constant 0 : i32
    %dma_wait3A_27 = arith.constant 0 : i32
    %dma_wait3A_28 = tpu.memref_slice %arg6[%dma_wait3A, %dma_wait3A_26, %dma_wait3A_27] : memref<2x32x1024xf32, #tpu.memory_space<vmem>> -> memref<1x32x1024xf32, #tpu.memory_space<vmem>>
    %dma_wait3A_29 = tpu.memref_squeeze %dma_wait3A_28 : memref<1x32x1024xf32, #tpu.memory_space<vmem>> -> memref<32x1024xf32, #tpu.memory_space<vmem>>
    tpu.wait_dma2 semaphore(%arg8 : memref<!tpu.dma_semaphore, #tpu.memory_space<semaphore_mem>>) src(%dma_wait3A_29 : memref<32x1024xf32, #tpu.memory_space<vmem>>) dst(%dma_wait3A_25 : memref<32x1024xf32, #tpu.memory_space<hbm>>)
    return
  }
}

#map = affine_map<(d0, d1) -> (0, 0)>
#map1 = affine_map<(d0, d1) -> (0, 0, 0)>
module attributes {stable_mosaic.version = 14 : i64} {
  func.func @_dispatch_body(%arg0: i32, %arg1: i32, %arg2: memref<8192x2048xf32, #tpu.memory_space<hbm>>, %arg3: memref<32x512xi32, #tpu.memory_space<hbm>>, %arg4: memref<32x32x16xi32, #tpu.memory_space<hbm>>, %arg5: memref<18432x2048xf32, #tpu.memory_space<hbm>>, %arg6: memref<512xi32, #tpu.memory_space<vmem>>, %arg7: memref<32x16xi32, #tpu.memory_space<vmem>>, %arg8: memref<2x16x2048xf32, #tpu.memory_space<vmem>>, %arg9: memref<!tpu.dma_semaphore, #tpu.memory_space<semaphore_mem>>, %arg10: memref<!tpu.dma_semaphore, #tpu.memory_space<semaphore_mem>>) attributes {dimension_semantics = [#tpu.dimension_semantics<core_parallel>, #tpu.dimension_semantics<subcore_parallel>], iteration_bounds = array<i64: 2, 16>, scalar_prefetch = 0 : i64, scratch_operands = 5 : i64, tpu.core_type = #tpu.core_type<sc_vector_subcore>, window_params = [{transform_indices = #map}, {transform_indices = #map}, {transform_indices = #map1}, {transform_indices = #map}]} {
    %mul3A = arith.constant 2 : i32
    %mul3A_0 = arith.muli %arg1, %mul3A : i32
    %add3A = arith.addi %mul3A_0, %arg0 : i32
    "tpu.region"() ({
      %run_scoped3A = tpu.sem_alloc : memref<!tpu.dma_semaphore, #tpu.memory_space<semaphore_mem>>
      %dma_start3A_27 = arith.constant 0 : i32
      %dma_start3A_28 = tpu.memref_slice %arg3[%add3A, %dma_start3A_27] : memref<32x512xi32, #tpu.memory_space<hbm>> -> memref<1x512xi32, #tpu.memory_space<hbm>>
      %dma_start3A_29 = tpu.memref_squeeze %dma_start3A_28 : memref<1x512xi32, #tpu.memory_space<hbm>> -> memref<512xi32, #tpu.memory_space<hbm>>
      %dma_start3A_30 = arith.constant 0 : i32
      %dma_start3A_31 = tpu.memref_slice %arg3[%add3A, %dma_start3A_30] : memref<32x512xi32, #tpu.memory_space<hbm>> -> memref<1x512xi32, #tpu.memory_space<hbm>>
      %dma_start3A_32 = tpu.memref_squeeze %dma_start3A_31 : memref<1x512xi32, #tpu.memory_space<hbm>> -> memref<512xi32, #tpu.memory_space<hbm>>
      tpu.enqueue_dma source(%dma_start3A_32 : memref<512xi32, #tpu.memory_space<hbm>>) target(%arg6 : memref<512xi32, #tpu.memory_space<vmem>>) target_semaphore(%run_scoped3A : memref<!tpu.dma_semaphore, #tpu.memory_space<semaphore_mem>>)
      %dma_wait3A_33 = arith.constant 0 : i32
      %dma_wait3A_34 = tpu.memref_slice %arg3[%add3A, %dma_wait3A_33] : memref<32x512xi32, #tpu.memory_space<hbm>> -> memref<1x512xi32, #tpu.memory_space<hbm>>
      %dma_wait3A_35 = tpu.memref_squeeze %dma_wait3A_34 : memref<1x512xi32, #tpu.memory_space<hbm>> -> memref<512xi32, #tpu.memory_space<hbm>>
      %dma_wait3A_36 = arith.constant 0 : i32
      %dma_wait3A_37 = tpu.memref_slice %arg3[%add3A, %dma_wait3A_36] : memref<32x512xi32, #tpu.memory_space<hbm>> -> memref<1x512xi32, #tpu.memory_space<hbm>>
      %dma_wait3A_38 = tpu.memref_squeeze %dma_wait3A_37 : memref<1x512xi32, #tpu.memory_space<hbm>> -> memref<512xi32, #tpu.memory_space<hbm>>
      tpu.wait_dma2 semaphore(%run_scoped3A : memref<!tpu.dma_semaphore, #tpu.memory_space<semaphore_mem>>) src(%dma_wait3A_38 : memref<512xi32, #tpu.memory_space<hbm>>) dst(%arg6 : memref<512xi32, #tpu.memory_space<vmem>>)
      tpu.yield
    }) : () -> ()
    "tpu.region"() ({
      %run_scoped3A = tpu.sem_alloc : memref<!tpu.dma_semaphore, #tpu.memory_space<semaphore_mem>>
      %dma_start3A_27 = arith.constant 0 : i32
      %dma_start3A_28 = arith.constant 0 : i32
      %dma_start3A_29 = tpu.memref_slice %arg4[%add3A, %dma_start3A_27, %dma_start3A_28] : memref<32x32x16xi32, #tpu.memory_space<hbm>> -> memref<1x32x16xi32, #tpu.memory_space<hbm>>
      %dma_start3A_30 = tpu.memref_squeeze %dma_start3A_29 : memref<1x32x16xi32, #tpu.memory_space<hbm>> -> memref<32x16xi32, #tpu.memory_space<hbm>>
      %dma_start3A_31 = arith.constant 0 : i32
      %dma_start3A_32 = arith.constant 0 : i32
      %dma_start3A_33 = tpu.memref_slice %arg4[%add3A, %dma_start3A_31, %dma_start3A_32] : memref<32x32x16xi32, #tpu.memory_space<hbm>> -> memref<1x32x16xi32, #tpu.memory_space<hbm>>
      %dma_start3A_34 = tpu.memref_squeeze %dma_start3A_33 : memref<1x32x16xi32, #tpu.memory_space<hbm>> -> memref<32x16xi32, #tpu.memory_space<hbm>>
      tpu.enqueue_dma source(%dma_start3A_34 : memref<32x16xi32, #tpu.memory_space<hbm>>) target(%arg7 : memref<32x16xi32, #tpu.memory_space<vmem>>) target_semaphore(%run_scoped3A : memref<!tpu.dma_semaphore, #tpu.memory_space<semaphore_mem>>)
      %dma_wait3A_35 = arith.constant 0 : i32
      %dma_wait3A_36 = arith.constant 0 : i32
      %dma_wait3A_37 = tpu.memref_slice %arg4[%add3A, %dma_wait3A_35, %dma_wait3A_36] : memref<32x32x16xi32, #tpu.memory_space<hbm>> -> memref<1x32x16xi32, #tpu.memory_space<hbm>>
      %dma_wait3A_38 = tpu.memref_squeeze %dma_wait3A_37 : memref<1x32x16xi32, #tpu.memory_space<hbm>> -> memref<32x16xi32, #tpu.memory_space<hbm>>
      %dma_wait3A_39 = arith.constant 0 : i32
      %dma_wait3A_40 = arith.constant 0 : i32
      %dma_wait3A_41 = tpu.memref_slice %arg4[%add3A, %dma_wait3A_39, %dma_wait3A_40] : memref<32x32x16xi32, #tpu.memory_space<hbm>> -> memref<1x32x16xi32, #tpu.memory_space<hbm>>
      %dma_wait3A_42 = tpu.memref_squeeze %dma_wait3A_41 : memref<1x32x16xi32, #tpu.memory_space<hbm>> -> memref<32x16xi32, #tpu.memory_space<hbm>>
      tpu.wait_dma2 semaphore(%run_scoped3A : memref<!tpu.dma_semaphore, #tpu.memory_space<semaphore_mem>>) src(%dma_wait3A_42 : memref<32x16xi32, #tpu.memory_space<hbm>>) dst(%arg7 : memref<32x16xi32, #tpu.memory_space<vmem>>)
      tpu.yield
    }) : () -> ()
    %dma_start3A = arith.constant 0 : i32
    %dma_start3A_1 = arith.constant 0 : i32
    %dma_start3A_2 = arith.constant 0 : i32
    %dma_start3A_3 = tpu.memref_slice %arg8[%dma_start3A, %dma_start3A_1, %dma_start3A_2] : memref<2x16x2048xf32, #tpu.memory_space<vmem>> -> memref<1x16x2048xf32, #tpu.memory_space<vmem>>
    %dma_start3A_4 = tpu.memref_squeeze %dma_start3A_3 : memref<1x16x2048xf32, #tpu.memory_space<vmem>> -> memref<16x2048xf32, #tpu.memory_space<vmem>>
    %dma_start3A_5 = arith.constant 0 : i32
    %dma_start3A_6 = tpu.memref_slice %arg6[%dma_start3A_5] : memref<512xi32, #tpu.memory_space<vmem>> -> memref<16xi32, #tpu.memory_space<vmem>>
    %dma_start3A_7 = arith.constant 0 : i32
    %dma_start3A_8 = arith.constant 0 : i32
    %dma_start3A_9 = tpu.memref_slice %arg2[%dma_start3A_7, %dma_start3A_8] : memref<8192x2048xf32, #tpu.memory_space<hbm>> -> memref<8192x2048xf32, #tpu.memory_space<hbm>>
    tpu.enqueue_indirect_dma source(%dma_start3A_9 : memref<8192x2048xf32, #tpu.memory_space<hbm>>) target(%dma_start3A_4 : memref<16x2048xf32, #tpu.memory_space<vmem>>) offsets(%dma_start3A_6 : memref<16xi32, #tpu.memory_space<vmem>>) semaphore(%arg9 : memref<!tpu.dma_semaphore, #tpu.memory_space<semaphore_mem>>)
    %scan3A = arith.constant 0 : i32
    %scan3A_10 = arith.constant 0 : i32
    %scan3A_11 = arith.constant 16 : i32
    %scan3A_12 = arith.addi %scan3A_10, %scan3A_11 : i32
    %scan3A_13 = arith.constant 1 : i32
    %scan3A_14 = scf.for %scan3A_27 = %scan3A_10 to %scan3A_12 step %scan3A_13 iter_args(%scan3A_28 = %scan3A) -> (i32)  : i32 {
      %mul3A_29 = arith.constant 2 : i32
      %mul3A_30 = arith.muli %mul3A_29, %scan3A_27 : i32
      %add3A_31 = arith.constant 0 : i32
      %add3A_32 = arith.addi %mul3A_30, %add3A_31 : i32
      %ge3A = arith.constant 1 : i32
      %ge3A_33 = arith.cmpi sge, %add3A_32, %ge3A : i32
      %convert_element_type3A = arith.extui %ge3A_33 : i1 to i32
      %cond3A = arith.constant 0 : i32
      %cond3A_34 = arith.cmpi ne, %convert_element_type3A, %cond3A : i32
      scf.if %cond3A_34 {
        %dma_wait3A_100 = arith.constant 0 : i32
        %dma_wait3A_101 = arith.constant 0 : i32
        %dma_wait3A_102 = arith.constant 0 : i32
        %dma_wait3A_103 = arith.constant 0 : i32
        %dma_wait3A_104 = tpu.memref_slice %arg8[%dma_wait3A_100, %dma_wait3A_102, %dma_wait3A_103] : memref<2x16x2048xf32, #tpu.memory_space<vmem>> -> memref<1x16x2048xf32, #tpu.memory_space<vmem>>
        %dma_wait3A_105 = tpu.memref_squeeze %dma_wait3A_104 : memref<1x16x2048xf32, #tpu.memory_space<vmem>> -> memref<16x2048xf32, #tpu.memory_space<vmem>>
        %dma_wait3A_106 = arith.constant 0 : i32
        %dma_wait3A_107 = tpu.memref_slice %arg7[%dma_wait3A_101, %dma_wait3A_106] : memref<32x16xi32, #tpu.memory_space<vmem>> -> memref<1x16xi32, #tpu.memory_space<vmem>>
        %dma_wait3A_108 = tpu.memref_squeeze %dma_wait3A_107 : memref<1x16xi32, #tpu.memory_space<vmem>> -> memref<16xi32, #tpu.memory_space<vmem>>
        %dma_wait3A_109 = arith.constant 0 : i32
        %dma_wait3A_110 = arith.constant 0 : i32
        %dma_wait3A_111 = tpu.memref_slice %arg5[%dma_wait3A_109, %dma_wait3A_110] : memref<18432x2048xf32, #tpu.memory_space<hbm>> -> memref<18432x2048xf32, #tpu.memory_space<hbm>>
        tpu.wait_indirect_dma semaphore(%arg10 : memref<!tpu.dma_semaphore, #tpu.memory_space<semaphore_mem>>) src(%dma_wait3A_105 : memref<16x2048xf32, #tpu.memory_space<vmem>>) dst(%dma_wait3A_111 : memref<18432x2048xf32, #tpu.memory_space<hbm>>)
      } else {
      }
      %add3A_35 = arith.constant 1 : i32
      %add3A_36 = arith.addi %add3A_32, %add3A_35 : i32
      %lt3A = arith.constant 32 : i32
      %lt3A_37 = arith.cmpi slt, %add3A_36, %lt3A : i32
      %convert_element_type3A_38 = arith.extui %lt3A_37 : i1 to i32
      %cond3A_39 = arith.constant 0 : i32
      %cond3A_40 = arith.cmpi ne, %convert_element_type3A_38, %cond3A_39 : i32
      scf.if %cond3A_40 {
        %add3A_100 = arith.constant 1 : i32
        %add3A_101 = arith.addi %add3A_32, %add3A_100 : i32
        %mul3A_102 = arith.constant 16 : i32
        %mul3A_103 = arith.muli %add3A_101, %mul3A_102 : i32
        %dma_start3A_104 = arith.constant 1 : i32
        %dma_start3A_105 = arith.constant 0 : i32
        %dma_start3A_106 = arith.constant 0 : i32
        %dma_start3A_107 = tpu.memref_slice %arg8[%dma_start3A_104, %dma_start3A_105, %dma_start3A_106] : memref<2x16x2048xf32, #tpu.memory_space<vmem>> -> memref<1x16x2048xf32, #tpu.memory_space<vmem>>
        %dma_start3A_108 = tpu.memref_squeeze %dma_start3A_107 : memref<1x16x2048xf32, #tpu.memory_space<vmem>> -> memref<16x2048xf32, #tpu.memory_space<vmem>>
        %dma_start3A_109 = tpu.memref_slice %arg6[%mul3A_103] : memref<512xi32, #tpu.memory_space<vmem>> -> memref<16xi32, #tpu.memory_space<vmem>>
        %dma_start3A_110 = arith.constant 0 : i32
        %dma_start3A_111 = arith.constant 0 : i32
        %dma_start3A_112 = tpu.memref_slice %arg2[%dma_start3A_110, %dma_start3A_111] : memref<8192x2048xf32, #tpu.memory_space<hbm>> -> memref<8192x2048xf32, #tpu.memory_space<hbm>>
        tpu.enqueue_indirect_dma source(%dma_start3A_112 : memref<8192x2048xf32, #tpu.memory_space<hbm>>) target(%dma_start3A_108 : memref<16x2048xf32, #tpu.memory_space<vmem>>) offsets(%dma_start3A_109 : memref<16xi32, #tpu.memory_space<vmem>>) semaphore(%arg9 : memref<!tpu.dma_semaphore, #tpu.memory_space<semaphore_mem>>)
      } else {
      }
      %dma_wait3A_41 = arith.constant 0 : i32
      %dma_wait3A_42 = arith.constant 0 : i32
      %dma_wait3A_43 = arith.constant 0 : i32
      %dma_wait3A_44 = tpu.memref_slice %arg8[%dma_wait3A_41, %dma_wait3A_42, %dma_wait3A_43] : memref<2x16x2048xf32, #tpu.memory_space<vmem>> -> memref<1x16x2048xf32, #tpu.memory_space<vmem>>
      %dma_wait3A_45 = tpu.memref_squeeze %dma_wait3A_44 : memref<1x16x2048xf32, #tpu.memory_space<vmem>> -> memref<16x2048xf32, #tpu.memory_space<vmem>>
      %dma_wait3A_46 = arith.constant 0 : i32
      %dma_wait3A_47 = tpu.memref_slice %arg6[%dma_wait3A_46] : memref<512xi32, #tpu.memory_space<vmem>> -> memref<16xi32, #tpu.memory_space<vmem>>
      %dma_wait3A_48 = arith.constant 0 : i32
      %dma_wait3A_49 = arith.constant 0 : i32
      %dma_wait3A_50 = tpu.memref_slice %arg2[%dma_wait3A_48, %dma_wait3A_49] : memref<8192x2048xf32, #tpu.memory_space<hbm>> -> memref<8192x2048xf32, #tpu.memory_space<hbm>>
      tpu.wait_indirect_dma semaphore(%arg9 : memref<!tpu.dma_semaphore, #tpu.memory_space<semaphore_mem>>) src(%dma_wait3A_50 : memref<8192x2048xf32, #tpu.memory_space<hbm>>) dst(%dma_wait3A_45 : memref<16x2048xf32, #tpu.memory_space<vmem>>)
      %dma_start3A_51 = arith.constant 0 : i32
      %dma_start3A_52 = arith.constant 0 : i32
      %dma_start3A_53 = arith.constant 0 : i32
      %dma_start3A_54 = tpu.memref_slice %arg8[%dma_start3A_51, %dma_start3A_52, %dma_start3A_53] : memref<2x16x2048xf32, #tpu.memory_space<vmem>> -> memref<1x16x2048xf32, #tpu.memory_space<vmem>>
      %dma_start3A_55 = tpu.memref_squeeze %dma_start3A_54 : memref<1x16x2048xf32, #tpu.memory_space<vmem>> -> memref<16x2048xf32, #tpu.memory_space<vmem>>
      %dma_start3A_56 = arith.constant 0 : i32
      %dma_start3A_57 = tpu.memref_slice %arg7[%add3A_32, %dma_start3A_56] : memref<32x16xi32, #tpu.memory_space<vmem>> -> memref<1x16xi32, #tpu.memory_space<vmem>>
      %dma_start3A_58 = tpu.memref_squeeze %dma_start3A_57 : memref<1x16xi32, #tpu.memory_space<vmem>> -> memref<16xi32, #tpu.memory_space<vmem>>
      %dma_start3A_59 = arith.constant 0 : i32
      %dma_start3A_60 = arith.constant 0 : i32
      %dma_start3A_61 = tpu.memref_slice %arg5[%dma_start3A_59, %dma_start3A_60] : memref<18432x2048xf32, #tpu.memory_space<hbm>> -> memref<18432x2048xf32, #tpu.memory_space<hbm>>
      tpu.enqueue_indirect_dma source(%dma_start3A_55 : memref<16x2048xf32, #tpu.memory_space<vmem>>) target(%dma_start3A_61 : memref<18432x2048xf32, #tpu.memory_space<hbm>>) offsets(%dma_start3A_58 : memref<16xi32, #tpu.memory_space<vmem>>) semaphore(%arg10 : memref<!tpu.dma_semaphore, #tpu.memory_space<semaphore_mem>>)
      %mul3A_62 = arith.constant 2 : i32
      %mul3A_63 = arith.muli %mul3A_62, %scan3A_27 : i32
      %add3A_64 = arith.constant 1 : i32
      %add3A_65 = arith.addi %mul3A_63, %add3A_64 : i32
      %ge3A_66 = arith.constant 1 : i32
      %ge3A_67 = arith.cmpi sge, %add3A_65, %ge3A_66 : i32
      %convert_element_type3A_68 = arith.extui %ge3A_67 : i1 to i32
      %cond3A_69 = arith.constant 0 : i32
      %cond3A_70 = arith.cmpi ne, %convert_element_type3A_68, %cond3A_69 : i32
      scf.if %cond3A_70 {
        %dma_wait3A_100 = arith.constant 0 : i32
        %dma_wait3A_101 = arith.constant 0 : i32
        %dma_wait3A_102 = arith.constant 0 : i32
        %dma_wait3A_103 = arith.constant 0 : i32
        %dma_wait3A_104 = tpu.memref_slice %arg8[%dma_wait3A_100, %dma_wait3A_102, %dma_wait3A_103] : memref<2x16x2048xf32, #tpu.memory_space<vmem>> -> memref<1x16x2048xf32, #tpu.memory_space<vmem>>
        %dma_wait3A_105 = tpu.memref_squeeze %dma_wait3A_104 : memref<1x16x2048xf32, #tpu.memory_space<vmem>> -> memref<16x2048xf32, #tpu.memory_space<vmem>>
        %dma_wait3A_106 = arith.constant 0 : i32
        %dma_wait3A_107 = tpu.memref_slice %arg7[%dma_wait3A_101, %dma_wait3A_106] : memref<32x16xi32, #tpu.memory_space<vmem>> -> memref<1x16xi32, #tpu.memory_space<vmem>>
        %dma_wait3A_108 = tpu.memref_squeeze %dma_wait3A_107 : memref<1x16xi32, #tpu.memory_space<vmem>> -> memref<16xi32, #tpu.memory_space<vmem>>
        %dma_wait3A_109 = arith.constant 0 : i32
        %dma_wait3A_110 = arith.constant 0 : i32
        %dma_wait3A_111 = tpu.memref_slice %arg5[%dma_wait3A_109, %dma_wait3A_110] : memref<18432x2048xf32, #tpu.memory_space<hbm>> -> memref<18432x2048xf32, #tpu.memory_space<hbm>>
        tpu.wait_indirect_dma semaphore(%arg10 : memref<!tpu.dma_semaphore, #tpu.memory_space<semaphore_mem>>) src(%dma_wait3A_105 : memref<16x2048xf32, #tpu.memory_space<vmem>>) dst(%dma_wait3A_111 : memref<18432x2048xf32, #tpu.memory_space<hbm>>)
      } else {
      }
      %add3A_71 = arith.constant 1 : i32
      %add3A_72 = arith.addi %add3A_65, %add3A_71 : i32
      %lt3A_73 = arith.constant 32 : i32
      %lt3A_74 = arith.cmpi slt, %add3A_72, %lt3A_73 : i32
      %convert_element_type3A_75 = arith.extui %lt3A_74 : i1 to i32
      %cond3A_76 = arith.constant 0 : i32
      %cond3A_77 = arith.cmpi ne, %convert_element_type3A_75, %cond3A_76 : i32
      scf.if %cond3A_77 {
        %add3A_100 = arith.constant 1 : i32
        %add3A_101 = arith.addi %add3A_65, %add3A_100 : i32
        %mul3A_102 = arith.constant 16 : i32
        %mul3A_103 = arith.muli %add3A_101, %mul3A_102 : i32
        %dma_start3A_104 = arith.constant 0 : i32
        %dma_start3A_105 = arith.constant 0 : i32
        %dma_start3A_106 = arith.constant 0 : i32
        %dma_start3A_107 = tpu.memref_slice %arg8[%dma_start3A_104, %dma_start3A_105, %dma_start3A_106] : memref<2x16x2048xf32, #tpu.memory_space<vmem>> -> memref<1x16x2048xf32, #tpu.memory_space<vmem>>
        %dma_start3A_108 = tpu.memref_squeeze %dma_start3A_107 : memref<1x16x2048xf32, #tpu.memory_space<vmem>> -> memref<16x2048xf32, #tpu.memory_space<vmem>>
        %dma_start3A_109 = tpu.memref_slice %arg6[%mul3A_103] : memref<512xi32, #tpu.memory_space<vmem>> -> memref<16xi32, #tpu.memory_space<vmem>>
        %dma_start3A_110 = arith.constant 0 : i32
        %dma_start3A_111 = arith.constant 0 : i32
        %dma_start3A_112 = tpu.memref_slice %arg2[%dma_start3A_110, %dma_start3A_111] : memref<8192x2048xf32, #tpu.memory_space<hbm>> -> memref<8192x2048xf32, #tpu.memory_space<hbm>>
        tpu.enqueue_indirect_dma source(%dma_start3A_112 : memref<8192x2048xf32, #tpu.memory_space<hbm>>) target(%dma_start3A_108 : memref<16x2048xf32, #tpu.memory_space<vmem>>) offsets(%dma_start3A_109 : memref<16xi32, #tpu.memory_space<vmem>>) semaphore(%arg9 : memref<!tpu.dma_semaphore, #tpu.memory_space<semaphore_mem>>)
      } else {
      }
      %dma_wait3A_78 = arith.constant 0 : i32
      %dma_wait3A_79 = arith.constant 0 : i32
      %dma_wait3A_80 = arith.constant 0 : i32
      %dma_wait3A_81 = tpu.memref_slice %arg8[%dma_wait3A_78, %dma_wait3A_79, %dma_wait3A_80] : memref<2x16x2048xf32, #tpu.memory_space<vmem>> -> memref<1x16x2048xf32, #tpu.memory_space<vmem>>
      %dma_wait3A_82 = tpu.memref_squeeze %dma_wait3A_81 : memref<1x16x2048xf32, #tpu.memory_space<vmem>> -> memref<16x2048xf32, #tpu.memory_space<vmem>>
      %dma_wait3A_83 = arith.constant 0 : i32
      %dma_wait3A_84 = tpu.memref_slice %arg6[%dma_wait3A_83] : memref<512xi32, #tpu.memory_space<vmem>> -> memref<16xi32, #tpu.memory_space<vmem>>
      %dma_wait3A_85 = arith.constant 0 : i32
      %dma_wait3A_86 = arith.constant 0 : i32
      %dma_wait3A_87 = tpu.memref_slice %arg2[%dma_wait3A_85, %dma_wait3A_86] : memref<8192x2048xf32, #tpu.memory_space<hbm>> -> memref<8192x2048xf32, #tpu.memory_space<hbm>>
      tpu.wait_indirect_dma semaphore(%arg9 : memref<!tpu.dma_semaphore, #tpu.memory_space<semaphore_mem>>) src(%dma_wait3A_87 : memref<8192x2048xf32, #tpu.memory_space<hbm>>) dst(%dma_wait3A_82 : memref<16x2048xf32, #tpu.memory_space<vmem>>)
      %dma_start3A_88 = arith.constant 1 : i32
      %dma_start3A_89 = arith.constant 0 : i32
      %dma_start3A_90 = arith.constant 0 : i32
      %dma_start3A_91 = tpu.memref_slice %arg8[%dma_start3A_88, %dma_start3A_89, %dma_start3A_90] : memref<2x16x2048xf32, #tpu.memory_space<vmem>> -> memref<1x16x2048xf32, #tpu.memory_space<vmem>>
      %dma_start3A_92 = tpu.memref_squeeze %dma_start3A_91 : memref<1x16x2048xf32, #tpu.memory_space<vmem>> -> memref<16x2048xf32, #tpu.memory_space<vmem>>
      %dma_start3A_93 = arith.constant 0 : i32
      %dma_start3A_94 = tpu.memref_slice %arg7[%add3A_65, %dma_start3A_93] : memref<32x16xi32, #tpu.memory_space<vmem>> -> memref<1x16xi32, #tpu.memory_space<vmem>>
      %dma_start3A_95 = tpu.memref_squeeze %dma_start3A_94 : memref<1x16xi32, #tpu.memory_space<vmem>> -> memref<16xi32, #tpu.memory_space<vmem>>
      %dma_start3A_96 = arith.constant 0 : i32
      %dma_start3A_97 = arith.constant 0 : i32
      %dma_start3A_98 = tpu.memref_slice %arg5[%dma_start3A_96, %dma_start3A_97] : memref<18432x2048xf32, #tpu.memory_space<hbm>> -> memref<18432x2048xf32, #tpu.memory_space<hbm>>
      tpu.enqueue_indirect_dma source(%dma_start3A_92 : memref<16x2048xf32, #tpu.memory_space<vmem>>) target(%dma_start3A_98 : memref<18432x2048xf32, #tpu.memory_space<hbm>>) offsets(%dma_start3A_95 : memref<16xi32, #tpu.memory_space<vmem>>) semaphore(%arg10 : memref<!tpu.dma_semaphore, #tpu.memory_space<semaphore_mem>>)
      %scan3A_99 = arith.constant 0 : i32
      scf.yield %scan3A_99 : i32
    }
    %scan3A_15 = arith.constant 16 : i32
    %dma_wait3A = arith.constant 0 : i32
    %dma_wait3A_16 = arith.constant 0 : i32
    %dma_wait3A_17 = arith.constant 0 : i32
    %dma_wait3A_18 = arith.constant 0 : i32
    %dma_wait3A_19 = tpu.memref_slice %arg8[%dma_wait3A, %dma_wait3A_17, %dma_wait3A_18] : memref<2x16x2048xf32, #tpu.memory_space<vmem>> -> memref<1x16x2048xf32, #tpu.memory_space<vmem>>
    %dma_wait3A_20 = tpu.memref_squeeze %dma_wait3A_19 : memref<1x16x2048xf32, #tpu.memory_space<vmem>> -> memref<16x2048xf32, #tpu.memory_space<vmem>>
    %dma_wait3A_21 = arith.constant 0 : i32
    %dma_wait3A_22 = tpu.memref_slice %arg7[%dma_wait3A_16, %dma_wait3A_21] : memref<32x16xi32, #tpu.memory_space<vmem>> -> memref<1x16xi32, #tpu.memory_space<vmem>>
    %dma_wait3A_23 = tpu.memref_squeeze %dma_wait3A_22 : memref<1x16xi32, #tpu.memory_space<vmem>> -> memref<16xi32, #tpu.memory_space<vmem>>
    %dma_wait3A_24 = arith.constant 0 : i32
    %dma_wait3A_25 = arith.constant 0 : i32
    %dma_wait3A_26 = tpu.memref_slice %arg5[%dma_wait3A_24, %dma_wait3A_25] : memref<18432x2048xf32, #tpu.memory_space<hbm>> -> memref<18432x2048xf32, #tpu.memory_space<hbm>>
    tpu.wait_indirect_dma semaphore(%arg10 : memref<!tpu.dma_semaphore, #tpu.memory_space<semaphore_mem>>) src(%dma_wait3A_20 : memref<16x2048xf32, #tpu.memory_space<vmem>>) dst(%dma_wait3A_26 : memref<18432x2048xf32, #tpu.memory_space<hbm>>)
    return
  }
}

module attributes {stable_mosaic.version = 14 : i64} {
  func.func @_gate_kernel(%arg0: i32, %arg1: memref<512x2048xf32, #tpu.memory_space<vmem>>, %arg2: memref<2048x64xf32, #tpu.memory_space<vmem>>, %arg3: memref<64xf32, #tpu.memory_space<vmem>>, %arg4: memref<64x8xf32, #tpu.memory_space<vmem>>, %arg5: memref<8xf32, #tpu.memory_space<vmem>>, %arg6: memref<512x2xi32, #tpu.memory_space<vmem>>, %arg7: memref<512x2xf32, #tpu.memory_space<vmem>>) attributes {dimension_semantics = [#tpu.dimension_semantics<arbitrary>], iteration_bounds = array<i64: 16>, scalar_prefetch = 0 : i64, scratch_operands = 0 : i64, tpu.core_type = #tpu.core_type<tc>, window_params = [{transform_indices = @transform_0, window_bounds = array<i64: 512, 2048>}, {pipeline_mode = #tpu.pipeline_mode<synchronous>, transform_indices = @transform_1, window_bounds = array<i64: 2048, 64>}, {pipeline_mode = #tpu.pipeline_mode<synchronous>, transform_indices = @transform_2, window_bounds = array<i64: 64>}, {pipeline_mode = #tpu.pipeline_mode<synchronous>, transform_indices = @transform_3, window_bounds = array<i64: 64, 8>}, {pipeline_mode = #tpu.pipeline_mode<synchronous>, transform_indices = @transform_4, window_bounds = array<i64: 8>}, {transform_indices = @transform_5, window_bounds = array<i64: 512, 2>}, {transform_indices = @transform_6, window_bounds = array<i64: 512, 2>}]} {
    %get3A = arith.constant 0 : index
    %get3A_0 = arith.constant 0 : index
    %get3A_1 = vector.load %arg1[%get3A, %get3A_0] : memref<512x2048xf32, #tpu.memory_space<vmem>>, vector<512x2048xf32>
    %get3A_2 = arith.constant 0 : index
    %get3A_3 = arith.constant 0 : index
    %get3A_4 = vector.load %arg2[%get3A_2, %get3A_3] : memref<2048x64xf32, #tpu.memory_space<vmem>>, vector<2048x64xf32>
    %dot_general3A = arith.constant dense<0.000000e+00> : vector<512x64xf32>
    %dot_general3A_5 = tpu.matmul %get3A_1, %get3A_4, %dot_general3A {dimension_numbers = #tpu.dot_dimension_numbers<[1], [0], [0], [1], [0, 0, 1, 1], [], []>, transpose_lhs_hint = false} : vector<512x2048xf32>, vector<2048x64xf32>, vector<512x64xf32> -> vector<512x64xf32>
    %get3A_6 = arith.constant 0 : index
    %get3A_7 = vector.load %arg3[%get3A_6] : memref<64xf32, #tpu.memory_space<vmem>>, vector<64xf32>
    %broadcast_in_dim3A = vector.shape_cast %get3A_7 : vector<64xf32> to vector<1x64xf32>
    %add3A = vector.broadcast %broadcast_in_dim3A : vector<1x64xf32> to vector<512x64xf32>
    %add3A_8 = arith.addf %dot_general3A_5, %add3A : vector<512x64xf32>
    %max3A = arith.constant 0.000000e+00 : f32
    %max3A_9 = vector.broadcast %max3A : f32 to vector<512x64xf32>
    %max3A_10 = arith.maximumf %add3A_8, %max3A_9 : vector<512x64xf32>
    %get3A_11 = arith.constant 0 : index
    %get3A_12 = arith.constant 0 : index
    %get3A_13 = vector.load %arg4[%get3A_11, %get3A_12] : memref<64x8xf32, #tpu.memory_space<vmem>>, vector<64x8xf32>
    %dot_general3A_14 = arith.constant dense<0.000000e+00> : vector<512x8xf32>
    %dot_general3A_15 = tpu.matmul %max3A_10, %get3A_13, %dot_general3A_14 {dimension_numbers = #tpu.dot_dimension_numbers<[1], [0], [0], [1], [0, 0, 1, 1], [], []>, transpose_lhs_hint = false} : vector<512x64xf32>, vector<64x8xf32>, vector<512x8xf32> -> vector<512x8xf32>
    %get3A_16 = arith.constant 0 : index
    %get3A_17 = vector.load %arg5[%get3A_16] : memref<8xf32, #tpu.memory_space<vmem>>, vector<8xf32>
    %broadcast_in_dim3A_18 = vector.shape_cast %get3A_17 : vector<8xf32> to vector<1x8xf32>
    %add3A_19 = vector.broadcast %broadcast_in_dim3A_18 : vector<1x8xf32> to vector<512x8xf32>
    %add3A_20 = arith.addf %dot_general3A_15, %add3A_19 : vector<512x8xf32>
    %iota3A = tpu.iota {dimensions = array<i32: 1>} : vector<512x8xi32>
    %argmax3A = tpu.reduce_index %add3A_20 {axis = 1 : i32, kind = #tpu.reduction_kind<arg_max>} : vector<512x8xf32> -> vector<512xi32>
    %reduce_max3A = arith.constant dense<0xFF800000> : vector<512xf32>
    %reduce_max3A_21 = vector.multi_reduction <maximumf>, %add3A_20, %reduce_max3A [1] : vector<512x8xf32> to vector<512xf32>
    %broadcast_in_dim3A_22 = vector.shape_cast %argmax3A : vector<512xi32> to vector<512x1xi32>
    %eq3A = vector.broadcast %broadcast_in_dim3A_22 : vector<512x1xi32> to vector<512x8xi32>
    %eq3A_23 = arith.cmpi eq, %iota3A, %eq3A : vector<512x8xi32>
    %jit3A = arith.constant 0xFF800000 : f32
    %broadcast_in_dim3A_24 = vector.broadcast %jit3A : f32 to vector<512x8xf32>
    %select_n3A = arith.select %eq3A_23, %broadcast_in_dim3A_24, %add3A_20 : vector<512x8xi1>, vector<512x8xf32>
    %argmax3A_25 = tpu.reduce_index %select_n3A {axis = 1 : i32, kind = #tpu.reduction_kind<arg_max>} : vector<512x8xf32> -> vector<512xi32>
    %reduce_max3A_26 = arith.constant dense<0xFF800000> : vector<512xf32>
    %reduce_max3A_27 = vector.multi_reduction <maximumf>, %select_n3A, %reduce_max3A_26 [1] : vector<512x8xf32> to vector<512xf32>
    %sub3A = arith.subf %reduce_max3A_21, %reduce_max3A_27 : vector<512xf32>
    %logistic3A = arith.negf %sub3A : vector<512xf32>
    %logistic3A_28 = math.exp %logistic3A : vector<512xf32>
    %logistic3A_29 = arith.constant 1.000000e+00 : f32
    %logistic3A_30 = vector.broadcast %logistic3A_29 : f32 to vector<512xf32>
    %logistic3A_31 = arith.addf %logistic3A_30, %logistic3A_28 : vector<512xf32>
    %logistic3A_32 = arith.divf %logistic3A_30, %logistic3A_31 : vector<512xf32>
    %broadcast_in_dim3A_33 = vector.shape_cast %argmax3A : vector<512xi32> to vector<512x1xi32>
    %broadcast_in_dim3A_34 = vector.shape_cast %argmax3A_25 : vector<512xi32> to vector<512x1xi32>
    %concatenate3A = tpu.concatenate %broadcast_in_dim3A_33, %broadcast_in_dim3A_34 in 1 : vector<512x1xi32>, vector<512x1xi32> -> vector<512x2xi32>
    %swap3A = arith.constant 0 : index
    %swap3A_35 = arith.constant 0 : index
    %swap3A_36 = vector.load %arg6[%swap3A, %swap3A_35] : memref<512x2xi32, #tpu.memory_space<vmem>>, vector<512x2xi32>
    tpu.vector_store %arg6[%swap3A, %swap3A_35], %concatenate3A {strides = array<i32>} : memref<512x2xi32, #tpu.memory_space<vmem>>, vector<512x2xi32>,
    %broadcast_in_dim3A_37 = vector.shape_cast %logistic3A_32 : vector<512xf32> to vector<512x1xf32>
    %sub3A_38 = arith.constant 1.000000e+00 : f32
    %sub3A_39 = vector.broadcast %sub3A_38 : f32 to vector<512xf32>
    %sub3A_40 = arith.subf %sub3A_39, %logistic3A_32 : vector<512xf32>
    %broadcast_in_dim3A_41 = vector.shape_cast %sub3A_40 : vector<512xf32> to vector<512x1xf32>
    %concatenate3A_42 = tpu.concatenate %broadcast_in_dim3A_37, %broadcast_in_dim3A_41 in 1 : vector<512x1xf32>, vector<512x1xf32> -> vector<512x2xf32>
    %swap3A_43 = arith.constant 0 : index
    %swap3A_44 = arith.constant 0 : index
    %swap3A_45 = vector.load %arg7[%swap3A_43, %swap3A_44] : memref<512x2xf32, #tpu.memory_space<vmem>>, vector<512x2xf32>
    tpu.vector_store %arg7[%swap3A_43, %swap3A_44], %concatenate3A_42 {strides = array<i32>} : memref<512x2xf32, #tpu.memory_space<vmem>>, vector<512x2xf32>,
    return
  }
  func.func @transform_0(%arg0: i32) -> (i32, i32) {
    %c0_i32 = arith.constant 0 : i32
    %c0_i32_0 = arith.constant 0 : i32
    return %arg0, %c0_i32 : i32, i32
  }
  func.func @transform_1(%arg0: i32) -> (i32, i32) {
    %c0_i32 = arith.constant 0 : i32
    %c0_i32_0 = arith.constant 0 : i32
    %c0_i32_1 = arith.constant 0 : i32
    return %c0_i32, %c0_i32_0 : i32, i32
  }
  func.func @transform_2(%arg0: i32) -> i32 {
    %c0_i32 = arith.constant 0 : i32
    %c0_i32_0 = arith.constant 0 : i32
    return %c0_i32 : i32
  }
  func.func @transform_3(%arg0: i32) -> (i32, i32) {
    %c0_i32 = arith.constant 0 : i32
    %c0_i32_0 = arith.constant 0 : i32
    %c0_i32_1 = arith.constant 0 : i32
    return %c0_i32, %c0_i32_0 : i32, i32
  }
  func.func @transform_4(%arg0: i32) -> i32 {
    %c0_i32 = arith.constant 0 : i32
    %c0_i32_0 = arith.constant 0 : i32
    return %c0_i32 : i32
  }
  func.func @transform_5(%arg0: i32) -> (i32, i32) {
    %c0_i32 = arith.constant 0 : i32
    %c0_i32_0 = arith.constant 0 : i32
    return %arg0, %c0_i32 : i32, i32
  }
  func.func @transform_6(%arg0: i32) -> (i32, i32) {
    %c0_i32 = arith.constant 0 : i32
    %c0_i32_0 = arith.constant 0 : i32
    return %arg0, %c0_i32 : i32, i32
  }
}

module attributes {stable_mosaic.version = 14 : i64} {
  func.func @_route_kernel(%arg0: memref<128x128xi32, #tpu.memory_space<vmem>>, %arg1: memref<128x128xi32, #tpu.memory_space<vmem>>, %arg2: memref<1x128xi32, #tpu.memory_space<vmem>>) attributes {dimension_semantics = [], scalar_prefetch = 0 : i64, scratch_operands = 0 : i64, tpu.core_type = #tpu.core_type<tc>} {
    %get3A = arith.constant 0 : index
    %get3A_0 = arith.constant 0 : index
    %get3A_1 = vector.load %arg0[%get3A, %get3A_0] : memref<128x128xi32, #tpu.memory_space<vmem>>, vector<128x128xi32>
    %iota3A = tpu.iota {dimensions = array<i32: 0>} : vector<128x128xi32>
    %iota3A_2 = tpu.iota {dimensions = array<i32: 1>} : vector<128x128xi32>
    %le3A = arith.cmpi sle, %iota3A, %iota3A_2 : vector<128x128xi32>
    %convert_element_type3A = arith.extui %le3A : vector<128x128xi1> to vector<128x128xi32>
    %convert_element_type3A_3 = arith.sitofp %convert_element_type3A : vector<128x128xi32> to vector<128x128xf32>
    %convert_element_type3A_4 = arith.truncf %convert_element_type3A_3 : vector<128x128xf32> to vector<128x128xbf16>
    %lt3A = arith.cmpi slt, %iota3A_2, %iota3A : vector<128x128xi32>
    %convert_element_type3A_5 = arith.extui %lt3A : vector<128x128xi1> to vector<128x128xi32>
    %convert_element_type3A_6 = arith.sitofp %convert_element_type3A_5 : vector<128x128xi32> to vector<128x128xf32>
    %eq3A = arith.constant 0 : i32
    %eq3A_7 = vector.broadcast %eq3A : i32 to vector<128x128xi32>
    %eq3A_8 = arith.cmpi eq, %get3A_1, %eq3A_7 : vector<128x128xi32>
    %convert_element_type3A_9 = arith.extui %eq3A_8 : vector<128x128xi1> to vector<128x128xi32>
    %convert_element_type3A_10 = arith.sitofp %convert_element_type3A_9 : vector<128x128xi32> to vector<128x128xf32>
    %convert_element_type3A_11 = arith.truncf %convert_element_type3A_10 : vector<128x128xf32> to vector<128x128xbf16>
    %dot_general3A = arith.constant dense<0.000000e+00> : vector<128x128xf32>
    %dot_general3A_12 = tpu.matmul %convert_element_type3A_11, %convert_element_type3A_4, %dot_general3A {dimension_numbers = #tpu.dot_dimension_numbers<[1], [0], [0], [1], [0, 0, 1, 1], [], []>, transpose_lhs_hint = false} : vector<128x128xbf16>, vector<128x128xbf16>, vector<128x128xf32> -> vector<128x128xf32>
    %slice3A = vector.extract_strided_slice %dot_general3A_12 {offsets = [0, 127], sizes = [128, 1], strides = [1, 1]} : vector<128x128xf32> to vector<128x1xf32>
    %eq3A_13 = arith.constant 1 : i32
    %eq3A_14 = vector.broadcast %eq3A_13 : i32 to vector<128x128xi32>
    %eq3A_15 = arith.cmpi eq, %get3A_1, %eq3A_14 : vector<128x128xi32>
    %convert_element_type3A_16 = arith.extui %eq3A_15 : vector<128x128xi1> to vector<128x128xi32>
    %convert_element_type3A_17 = arith.sitofp %convert_element_type3A_16 : vector<128x128xi32> to vector<128x128xf32>
    %convert_element_type3A_18 = arith.truncf %convert_element_type3A_17 : vector<128x128xf32> to vector<128x128xbf16>
    %dot_general3A_19 = arith.constant dense<0.000000e+00> : vector<128x128xf32>
    %dot_general3A_20 = tpu.matmul %convert_element_type3A_18, %convert_element_type3A_4, %dot_general3A_19 {dimension_numbers = #tpu.dot_dimension_numbers<[1], [0], [0], [1], [0, 0, 1, 1], [], []>, transpose_lhs_hint = false} : vector<128x128xbf16>, vector<128x128xbf16>, vector<128x128xf32> -> vector<128x128xf32>
    %slice3A_21 = vector.extract_strided_slice %dot_general3A_20 {offsets = [0, 127], sizes = [128, 1], strides = [1, 1]} : vector<128x128xf32> to vector<128x1xf32>
    %eq3A_22 = arith.constant 2 : i32
    %eq3A_23 = vector.broadcast %eq3A_22 : i32 to vector<128x128xi32>
    %eq3A_24 = arith.cmpi eq, %get3A_1, %eq3A_23 : vector<128x128xi32>
    %convert_element_type3A_25 = arith.extui %eq3A_24 : vector<128x128xi1> to vector<128x128xi32>
    %convert_element_type3A_26 = arith.sitofp %convert_element_type3A_25 : vector<128x128xi32> to vector<128x128xf32>
    %convert_element_type3A_27 = arith.truncf %convert_element_type3A_26 : vector<128x128xf32> to vector<128x128xbf16>
    %dot_general3A_28 = arith.constant dense<0.000000e+00> : vector<128x128xf32>
    %dot_general3A_29 = tpu.matmul %convert_element_type3A_27, %convert_element_type3A_4, %dot_general3A_28 {dimension_numbers = #tpu.dot_dimension_numbers<[1], [0], [0], [1], [0, 0, 1, 1], [], []>, transpose_lhs_hint = false} : vector<128x128xbf16>, vector<128x128xbf16>, vector<128x128xf32> -> vector<128x128xf32>
    %slice3A_30 = vector.extract_strided_slice %dot_general3A_29 {offsets = [0, 127], sizes = [128, 1], strides = [1, 1]} : vector<128x128xf32> to vector<128x1xf32>
    %eq3A_31 = arith.constant 3 : i32
    %eq3A_32 = vector.broadcast %eq3A_31 : i32 to vector<128x128xi32>
    %eq3A_33 = arith.cmpi eq, %get3A_1, %eq3A_32 : vector<128x128xi32>
    %convert_element_type3A_34 = arith.extui %eq3A_33 : vector<128x128xi1> to vector<128x128xi32>
    %convert_element_type3A_35 = arith.sitofp %convert_element_type3A_34 : vector<128x128xi32> to vector<128x128xf32>
    %convert_element_type3A_36 = arith.truncf %convert_element_type3A_35 : vector<128x128xf32> to vector<128x128xbf16>
    %dot_general3A_37 = arith.constant dense<0.000000e+00> : vector<128x128xf32>
    %dot_general3A_38 = tpu.matmul %convert_element_type3A_36, %convert_element_type3A_4, %dot_general3A_37 {dimension_numbers = #tpu.dot_dimension_numbers<[1], [0], [0], [1], [0, 0, 1, 1], [], []>, transpose_lhs_hint = false} : vector<128x128xbf16>, vector<128x128xbf16>, vector<128x128xf32> -> vector<128x128xf32>
    %slice3A_39 = vector.extract_strided_slice %dot_general3A_38 {offsets = [0, 127], sizes = [128, 1], strides = [1, 1]} : vector<128x128xf32> to vector<128x1xf32>
    %eq3A_40 = arith.constant 4 : i32
    %eq3A_41 = vector.broadcast %eq3A_40 : i32 to vector<128x128xi32>
    %eq3A_42 = arith.cmpi eq, %get3A_1, %eq3A_41 : vector<128x128xi32>
    %convert_element_type3A_43 = arith.extui %eq3A_42 : vector<128x128xi1> to vector<128x128xi32>
    %convert_element_type3A_44 = arith.sitofp %convert_element_type3A_43 : vector<128x128xi32> to vector<128x128xf32>
    %convert_element_type3A_45 = arith.truncf %convert_element_type3A_44 : vector<128x128xf32> to vector<128x128xbf16>
    %dot_general3A_46 = arith.constant dense<0.000000e+00> : vector<128x128xf32>
    %dot_general3A_47 = tpu.matmul %convert_element_type3A_45, %convert_element_type3A_4, %dot_general3A_46 {dimension_numbers = #tpu.dot_dimension_numbers<[1], [0], [0], [1], [0, 0, 1, 1], [], []>, transpose_lhs_hint = false} : vector<128x128xbf16>, vector<128x128xbf16>, vector<128x128xf32> -> vector<128x128xf32>
    %slice3A_48 = vector.extract_strided_slice %dot_general3A_47 {offsets = [0, 127], sizes = [128, 1], strides = [1, 1]} : vector<128x128xf32> to vector<128x1xf32>
    %eq3A_49 = arith.constant 5 : i32
    %eq3A_50 = vector.broadcast %eq3A_49 : i32 to vector<128x128xi32>
    %eq3A_51 = arith.cmpi eq, %get3A_1, %eq3A_50 : vector<128x128xi32>
    %convert_element_type3A_52 = arith.extui %eq3A_51 : vector<128x128xi1> to vector<128x128xi32>
    %convert_element_type3A_53 = arith.sitofp %convert_element_type3A_52 : vector<128x128xi32> to vector<128x128xf32>
    %convert_element_type3A_54 = arith.truncf %convert_element_type3A_53 : vector<128x128xf32> to vector<128x128xbf16>
    %dot_general3A_55 = arith.constant dense<0.000000e+00> : vector<128x128xf32>
    %dot_general3A_56 = tpu.matmul %convert_element_type3A_54, %convert_element_type3A_4, %dot_general3A_55 {dimension_numbers = #tpu.dot_dimension_numbers<[1], [0], [0], [1], [0, 0, 1, 1], [], []>, transpose_lhs_hint = false} : vector<128x128xbf16>, vector<128x128xbf16>, vector<128x128xf32> -> vector<128x128xf32>
    %slice3A_57 = vector.extract_strided_slice %dot_general3A_56 {offsets = [0, 127], sizes = [128, 1], strides = [1, 1]} : vector<128x128xf32> to vector<128x1xf32>
    %eq3A_58 = arith.constant 6 : i32
    %eq3A_59 = vector.broadcast %eq3A_58 : i32 to vector<128x128xi32>
    %eq3A_60 = arith.cmpi eq, %get3A_1, %eq3A_59 : vector<128x128xi32>
    %convert_element_type3A_61 = arith.extui %eq3A_60 : vector<128x128xi1> to vector<128x128xi32>
    %convert_element_type3A_62 = arith.sitofp %convert_element_type3A_61 : vector<128x128xi32> to vector<128x128xf32>
    %convert_element_type3A_63 = arith.truncf %convert_element_type3A_62 : vector<128x128xf32> to vector<128x128xbf16>
    %dot_general3A_64 = arith.constant dense<0.000000e+00> : vector<128x128xf32>
    %dot_general3A_65 = tpu.matmul %convert_element_type3A_63, %convert_element_type3A_4, %dot_general3A_64 {dimension_numbers = #tpu.dot_dimension_numbers<[1], [0], [0], [1], [0, 0, 1, 1], [], []>, transpose_lhs_hint = false} : vector<128x128xbf16>, vector<128x128xbf16>, vector<128x128xf32> -> vector<128x128xf32>
    %slice3A_66 = vector.extract_strided_slice %dot_general3A_65 {offsets = [0, 127], sizes = [128, 1], strides = [1, 1]} : vector<128x128xf32> to vector<128x1xf32>
    %eq3A_67 = arith.constant 7 : i32
    %eq3A_68 = vector.broadcast %eq3A_67 : i32 to vector<128x128xi32>
    %eq3A_69 = arith.cmpi eq, %get3A_1, %eq3A_68 : vector<128x128xi32>
    %convert_element_type3A_70 = arith.extui %eq3A_69 : vector<128x128xi1> to vector<128x128xi32>
    %convert_element_type3A_71 = arith.sitofp %convert_element_type3A_70 : vector<128x128xi32> to vector<128x128xf32>
    %convert_element_type3A_72 = arith.truncf %convert_element_type3A_71 : vector<128x128xf32> to vector<128x128xbf16>
    %dot_general3A_73 = arith.constant dense<0.000000e+00> : vector<128x128xf32>
    %dot_general3A_74 = tpu.matmul %convert_element_type3A_72, %convert_element_type3A_4, %dot_general3A_73 {dimension_numbers = #tpu.dot_dimension_numbers<[1], [0], [0], [1], [0, 0, 1, 1], [], []>, transpose_lhs_hint = false} : vector<128x128xbf16>, vector<128x128xbf16>, vector<128x128xf32> -> vector<128x128xf32>
    %slice3A_75 = vector.extract_strided_slice %dot_general3A_74 {offsets = [0, 127], sizes = [128, 1], strides = [1, 1]} : vector<128x128xf32> to vector<128x1xf32>
    %concatenate3A = tpu.concatenate %slice3A, %slice3A_21, %slice3A_30, %slice3A_39, %slice3A_48, %slice3A_57, %slice3A_66, %slice3A_75 in 1 : vector<128x1xf32>, vector<128x1xf32>, vector<128x1xf32>, vector<128x1xf32>, vector<128x1xf32>, vector<128x1xf32>, vector<128x1xf32>, vector<128x1xf32> -> vector<128x8xf32>
    %dot_general3A_76 = arith.constant dense<0.000000e+00> : vector<128x8xf32>
    %dot_general3A_77 = tpu.matmul %convert_element_type3A_6, %concatenate3A, %dot_general3A_76 {dimension_numbers = #tpu.dot_dimension_numbers<[1], [0], [0], [1], [0, 0, 1, 1], [], []>, transpose_lhs_hint = false} : vector<128x128xf32>, vector<128x8xf32>, vector<128x8xf32> -> vector<128x8xf32>
    %slice3A_78 = vector.extract_strided_slice %dot_general3A_77 {offsets = [127, 0], sizes = [1, 8], strides = [1, 1]} : vector<128x8xf32> to vector<1x8xf32>
    %slice3A_79 = vector.extract_strided_slice %concatenate3A {offsets = [127, 0], sizes = [1, 8], strides = [1, 1]} : vector<128x8xf32> to vector<1x8xf32>
    %add3A = arith.addf %slice3A_78, %slice3A_79 : vector<1x8xf32>
    %add3A_80 = arith.constant 2.550000e+02 : f32
    %add3A_81 = vector.broadcast %add3A_80 : f32 to vector<1x8xf32>
    %add3A_82 = arith.addf %add3A, %add3A_81 : vector<1x8xf32>
    %div3A = arith.constant 2.560000e+02 : f32
    %div3A_83 = vector.broadcast %div3A : f32 to vector<1x8xf32>
    %div3A_84 = arith.divf %add3A_82, %div3A_83 : vector<1x8xf32>
    %floor3A = math.floor %div3A_84 : vector<1x8xf32>
    %mul3A = arith.constant 2.560000e+02 : f32
    %mul3A_85 = vector.broadcast %mul3A : f32 to vector<1x8xf32>
    %mul3A_86 = arith.mulf %floor3A, %mul3A_85 : vector<1x8xf32>
    %broadcast_in_dim3A = arith.constant 0.000000e+00 : f32
    %broadcast_in_dim3A_87 = vector.broadcast %broadcast_in_dim3A : f32 to vector<128x128xf32>
    %broadcast_in_dim3A_88 = arith.constant 0.000000e+00 : f32
    %broadcast_in_dim3A_89 = vector.broadcast %broadcast_in_dim3A_88 : f32 to vector<1x1xf32>
    %iota3A_90 = tpu.iota {dimensions = array<i32: 1>} : vector<1x128xi32>
    %convert_element_type3A_91 = arith.sitofp %iota3A_90 : vector<1x128xi32> to vector<1x128xf32>
    %mul3A_92 = arith.constant 2.560000e+02 : f32
    %mul3A_93 = vector.broadcast %mul3A_92 : f32 to vector<1x128xf32>
    %mul3A_94 = arith.mulf %convert_element_type3A_91, %mul3A_93 : vector<1x128xf32>
    %broadcast_in_dim3A_95 = arith.constant 0.000000e+00 : f32
    %broadcast_in_dim3A_96 = vector.broadcast %broadcast_in_dim3A_95 : f32 to vector<1x128xf32>
    %slice3A_97 = vector.extract_strided_slice %mul3A_86 {offsets = [0, 0], sizes = [1, 1], strides = [1, 1]} : vector<1x8xf32> to vector<1x1xf32>
    %add3A_98 = arith.addf %broadcast_in_dim3A_89, %slice3A_97 : vector<1x1xf32>
    %eq3A_99 = arith.constant 0 : i32
    %eq3A_100 = vector.broadcast %eq3A_99 : i32 to vector<128x128xi32>
    %eq3A_101 = arith.cmpi eq, %get3A_1, %eq3A_100 : vector<128x128xi32>
    %convert_element_type3A_102 = arith.extui %eq3A_101 : vector<128x128xi1> to vector<128x128xi32>
    %convert_element_type3A_103 = arith.sitofp %convert_element_type3A_102 : vector<128x128xi32> to vector<128x128xf32>
    %slice3A_104 = vector.extract_strided_slice %dot_general3A_77 {offsets = [0, 0], sizes = [128, 1], strides = [1, 1]} : vector<128x8xf32> to vector<128x1xf32>
    %add3A_105 = vector.broadcast %slice3A_104 : vector<128x1xf32> to vector<128x128xf32>
    %add3A_106 = arith.addf %dot_general3A_12, %add3A_105 : vector<128x128xf32>
    %sub3A = arith.constant 1.000000e+00 : f32
    %sub3A_107 = vector.broadcast %sub3A : f32 to vector<128x128xf32>
    %sub3A_108 = arith.subf %add3A_106, %sub3A_107 : vector<128x128xf32>
    %add3A_109 = vector.broadcast %broadcast_in_dim3A_89 : vector<1x1xf32> to vector<128x128xf32>
    %add3A_110 = arith.addf %sub3A_108, %add3A_109 : vector<128x128xf32>
    %mul3A_111 = arith.mulf %convert_element_type3A_103, %add3A_110 : vector<128x128xf32>
    %add3A_112 = arith.addf %broadcast_in_dim3A_87, %mul3A_111 : vector<128x128xf32>
    %ge3A = vector.broadcast %add3A_98 : vector<1x1xf32> to vector<1x128xf32>
    %ge3A_113 = arith.cmpf oge, %mul3A_94, %ge3A : vector<1x128xf32>
    %convert_element_type3A_114 = arith.extui %ge3A_113 : vector<1x128xi1> to vector<1x128xi32>
    %convert_element_type3A_115 = arith.sitofp %convert_element_type3A_114 : vector<1x128xi32> to vector<1x128xf32>
    %add3A_116 = arith.addf %broadcast_in_dim3A_96, %convert_element_type3A_115 : vector<1x128xf32>
    %slice3A_117 = vector.extract_strided_slice %mul3A_86 {offsets = [0, 1], sizes = [1, 1], strides = [1, 1]} : vector<1x8xf32> to vector<1x1xf32>
    %add3A_118 = arith.addf %add3A_98, %slice3A_117 : vector<1x1xf32>
    %eq3A_119 = arith.constant 1 : i32
    %eq3A_120 = vector.broadcast %eq3A_119 : i32 to vector<128x128xi32>
    %eq3A_121 = arith.cmpi eq, %get3A_1, %eq3A_120 : vector<128x128xi32>
    %convert_element_type3A_122 = arith.extui %eq3A_121 : vector<128x128xi1> to vector<128x128xi32>
    %convert_element_type3A_123 = arith.sitofp %convert_element_type3A_122 : vector<128x128xi32> to vector<128x128xf32>
    %slice3A_124 = vector.extract_strided_slice %dot_general3A_77 {offsets = [0, 1], sizes = [128, 1], strides = [1, 1]} : vector<128x8xf32> to vector<128x1xf32>
    %add3A_125 = vector.broadcast %slice3A_124 : vector<128x1xf32> to vector<128x128xf32>
    %add3A_126 = arith.addf %dot_general3A_20, %add3A_125 : vector<128x128xf32>
    %sub3A_127 = arith.constant 1.000000e+00 : f32
    %sub3A_128 = vector.broadcast %sub3A_127 : f32 to vector<128x128xf32>
    %sub3A_129 = arith.subf %add3A_126, %sub3A_128 : vector<128x128xf32>
    %add3A_130 = vector.broadcast %add3A_98 : vector<1x1xf32> to vector<128x128xf32>
    %add3A_131 = arith.addf %sub3A_129, %add3A_130 : vector<128x128xf32>
    %mul3A_132 = arith.mulf %convert_element_type3A_123, %add3A_131 : vector<128x128xf32>
    %add3A_133 = arith.addf %add3A_112, %mul3A_132 : vector<128x128xf32>
    %ge3A_134 = vector.broadcast %add3A_118 : vector<1x1xf32> to vector<1x128xf32>
    %ge3A_135 = arith.cmpf oge, %mul3A_94, %ge3A_134 : vector<1x128xf32>
    %convert_element_type3A_136 = arith.extui %ge3A_135 : vector<1x128xi1> to vector<1x128xi32>
    %convert_element_type3A_137 = arith.sitofp %convert_element_type3A_136 : vector<1x128xi32> to vector<1x128xf32>
    %add3A_138 = arith.addf %add3A_116, %convert_element_type3A_137 : vector<1x128xf32>
    %slice3A_139 = vector.extract_strided_slice %mul3A_86 {offsets = [0, 2], sizes = [1, 1], strides = [1, 1]} : vector<1x8xf32> to vector<1x1xf32>
    %add3A_140 = arith.addf %add3A_118, %slice3A_139 : vector<1x1xf32>
    %eq3A_141 = arith.constant 2 : i32
    %eq3A_142 = vector.broadcast %eq3A_141 : i32 to vector<128x128xi32>
    %eq3A_143 = arith.cmpi eq, %get3A_1, %eq3A_142 : vector<128x128xi32>
    %convert_element_type3A_144 = arith.extui %eq3A_143 : vector<128x128xi1> to vector<128x128xi32>
    %convert_element_type3A_145 = arith.sitofp %convert_element_type3A_144 : vector<128x128xi32> to vector<128x128xf32>
    %slice3A_146 = vector.extract_strided_slice %dot_general3A_77 {offsets = [0, 2], sizes = [128, 1], strides = [1, 1]} : vector<128x8xf32> to vector<128x1xf32>
    %add3A_147 = vector.broadcast %slice3A_146 : vector<128x1xf32> to vector<128x128xf32>
    %add3A_148 = arith.addf %dot_general3A_29, %add3A_147 : vector<128x128xf32>
    %sub3A_149 = arith.constant 1.000000e+00 : f32
    %sub3A_150 = vector.broadcast %sub3A_149 : f32 to vector<128x128xf32>
    %sub3A_151 = arith.subf %add3A_148, %sub3A_150 : vector<128x128xf32>
    %add3A_152 = vector.broadcast %add3A_118 : vector<1x1xf32> to vector<128x128xf32>
    %add3A_153 = arith.addf %sub3A_151, %add3A_152 : vector<128x128xf32>
    %mul3A_154 = arith.mulf %convert_element_type3A_145, %add3A_153 : vector<128x128xf32>
    %add3A_155 = arith.addf %add3A_133, %mul3A_154 : vector<128x128xf32>
    %ge3A_156 = vector.broadcast %add3A_140 : vector<1x1xf32> to vector<1x128xf32>
    %ge3A_157 = arith.cmpf oge, %mul3A_94, %ge3A_156 : vector<1x128xf32>
    %convert_element_type3A_158 = arith.extui %ge3A_157 : vector<1x128xi1> to vector<1x128xi32>
    %convert_element_type3A_159 = arith.sitofp %convert_element_type3A_158 : vector<1x128xi32> to vector<1x128xf32>
    %add3A_160 = arith.addf %add3A_138, %convert_element_type3A_159 : vector<1x128xf32>
    %slice3A_161 = vector.extract_strided_slice %mul3A_86 {offsets = [0, 3], sizes = [1, 1], strides = [1, 1]} : vector<1x8xf32> to vector<1x1xf32>
    %add3A_162 = arith.addf %add3A_140, %slice3A_161 : vector<1x1xf32>
    %eq3A_163 = arith.constant 3 : i32
    %eq3A_164 = vector.broadcast %eq3A_163 : i32 to vector<128x128xi32>
    %eq3A_165 = arith.cmpi eq, %get3A_1, %eq3A_164 : vector<128x128xi32>
    %convert_element_type3A_166 = arith.extui %eq3A_165 : vector<128x128xi1> to vector<128x128xi32>
    %convert_element_type3A_167 = arith.sitofp %convert_element_type3A_166 : vector<128x128xi32> to vector<128x128xf32>
    %slice3A_168 = vector.extract_strided_slice %dot_general3A_77 {offsets = [0, 3], sizes = [128, 1], strides = [1, 1]} : vector<128x8xf32> to vector<128x1xf32>
    %add3A_169 = vector.broadcast %slice3A_168 : vector<128x1xf32> to vector<128x128xf32>
    %add3A_170 = arith.addf %dot_general3A_38, %add3A_169 : vector<128x128xf32>
    %sub3A_171 = arith.constant 1.000000e+00 : f32
    %sub3A_172 = vector.broadcast %sub3A_171 : f32 to vector<128x128xf32>
    %sub3A_173 = arith.subf %add3A_170, %sub3A_172 : vector<128x128xf32>
    %add3A_174 = vector.broadcast %add3A_140 : vector<1x1xf32> to vector<128x128xf32>
    %add3A_175 = arith.addf %sub3A_173, %add3A_174 : vector<128x128xf32>
    %mul3A_176 = arith.mulf %convert_element_type3A_167, %add3A_175 : vector<128x128xf32>
    %add3A_177 = arith.addf %add3A_155, %mul3A_176 : vector<128x128xf32>
    %ge3A_178 = vector.broadcast %add3A_162 : vector<1x1xf32> to vector<1x128xf32>
    %ge3A_179 = arith.cmpf oge, %mul3A_94, %ge3A_178 : vector<1x128xf32>
    %convert_element_type3A_180 = arith.extui %ge3A_179 : vector<1x128xi1> to vector<1x128xi32>
    %convert_element_type3A_181 = arith.sitofp %convert_element_type3A_180 : vector<1x128xi32> to vector<1x128xf32>
    %add3A_182 = arith.addf %add3A_160, %convert_element_type3A_181 : vector<1x128xf32>
    %slice3A_183 = vector.extract_strided_slice %mul3A_86 {offsets = [0, 4], sizes = [1, 1], strides = [1, 1]} : vector<1x8xf32> to vector<1x1xf32>
    %add3A_184 = arith.addf %add3A_162, %slice3A_183 : vector<1x1xf32>
    %eq3A_185 = arith.constant 4 : i32
    %eq3A_186 = vector.broadcast %eq3A_185 : i32 to vector<128x128xi32>
    %eq3A_187 = arith.cmpi eq, %get3A_1, %eq3A_186 : vector<128x128xi32>
    %convert_element_type3A_188 = arith.extui %eq3A_187 : vector<128x128xi1> to vector<128x128xi32>
    %convert_element_type3A_189 = arith.sitofp %convert_element_type3A_188 : vector<128x128xi32> to vector<128x128xf32>
    %slice3A_190 = vector.extract_strided_slice %dot_general3A_77 {offsets = [0, 4], sizes = [128, 1], strides = [1, 1]} : vector<128x8xf32> to vector<128x1xf32>
    %add3A_191 = vector.broadcast %slice3A_190 : vector<128x1xf32> to vector<128x128xf32>
    %add3A_192 = arith.addf %dot_general3A_47, %add3A_191 : vector<128x128xf32>
    %sub3A_193 = arith.constant 1.000000e+00 : f32
    %sub3A_194 = vector.broadcast %sub3A_193 : f32 to vector<128x128xf32>
    %sub3A_195 = arith.subf %add3A_192, %sub3A_194 : vector<128x128xf32>
    %add3A_196 = vector.broadcast %add3A_162 : vector<1x1xf32> to vector<128x128xf32>
    %add3A_197 = arith.addf %sub3A_195, %add3A_196 : vector<128x128xf32>
    %mul3A_198 = arith.mulf %convert_element_type3A_189, %add3A_197 : vector<128x128xf32>
    %add3A_199 = arith.addf %add3A_177, %mul3A_198 : vector<128x128xf32>
    %ge3A_200 = vector.broadcast %add3A_184 : vector<1x1xf32> to vector<1x128xf32>
    %ge3A_201 = arith.cmpf oge, %mul3A_94, %ge3A_200 : vector<1x128xf32>
    %convert_element_type3A_202 = arith.extui %ge3A_201 : vector<1x128xi1> to vector<1x128xi32>
    %convert_element_type3A_203 = arith.sitofp %convert_element_type3A_202 : vector<1x128xi32> to vector<1x128xf32>
    %add3A_204 = arith.addf %add3A_182, %convert_element_type3A_203 : vector<1x128xf32>
    %slice3A_205 = vector.extract_strided_slice %mul3A_86 {offsets = [0, 5], sizes = [1, 1], strides = [1, 1]} : vector<1x8xf32> to vector<1x1xf32>
    %add3A_206 = arith.addf %add3A_184, %slice3A_205 : vector<1x1xf32>
    %eq3A_207 = arith.constant 5 : i32
    %eq3A_208 = vector.broadcast %eq3A_207 : i32 to vector<128x128xi32>
    %eq3A_209 = arith.cmpi eq, %get3A_1, %eq3A_208 : vector<128x128xi32>
    %convert_element_type3A_210 = arith.extui %eq3A_209 : vector<128x128xi1> to vector<128x128xi32>
    %convert_element_type3A_211 = arith.sitofp %convert_element_type3A_210 : vector<128x128xi32> to vector<128x128xf32>
    %slice3A_212 = vector.extract_strided_slice %dot_general3A_77 {offsets = [0, 5], sizes = [128, 1], strides = [1, 1]} : vector<128x8xf32> to vector<128x1xf32>
    %add3A_213 = vector.broadcast %slice3A_212 : vector<128x1xf32> to vector<128x128xf32>
    %add3A_214 = arith.addf %dot_general3A_56, %add3A_213 : vector<128x128xf32>
    %sub3A_215 = arith.constant 1.000000e+00 : f32
    %sub3A_216 = vector.broadcast %sub3A_215 : f32 to vector<128x128xf32>
    %sub3A_217 = arith.subf %add3A_214, %sub3A_216 : vector<128x128xf32>
    %add3A_218 = vector.broadcast %add3A_184 : vector<1x1xf32> to vector<128x128xf32>
    %add3A_219 = arith.addf %sub3A_217, %add3A_218 : vector<128x128xf32>
    %mul3A_220 = arith.mulf %convert_element_type3A_211, %add3A_219 : vector<128x128xf32>
    %add3A_221 = arith.addf %add3A_199, %mul3A_220 : vector<128x128xf32>
    %ge3A_222 = vector.broadcast %add3A_206 : vector<1x1xf32> to vector<1x128xf32>
    %ge3A_223 = arith.cmpf oge, %mul3A_94, %ge3A_222 : vector<1x128xf32>
    %convert_element_type3A_224 = arith.extui %ge3A_223 : vector<1x128xi1> to vector<1x128xi32>
    %convert_element_type3A_225 = arith.sitofp %convert_element_type3A_224 : vector<1x128xi32> to vector<1x128xf32>
    %add3A_226 = arith.addf %add3A_204, %convert_element_type3A_225 : vector<1x128xf32>
    %slice3A_227 = vector.extract_strided_slice %mul3A_86 {offsets = [0, 6], sizes = [1, 1], strides = [1, 1]} : vector<1x8xf32> to vector<1x1xf32>
    %add3A_228 = arith.addf %add3A_206, %slice3A_227 : vector<1x1xf32>
    %eq3A_229 = arith.constant 6 : i32
    %eq3A_230 = vector.broadcast %eq3A_229 : i32 to vector<128x128xi32>
    %eq3A_231 = arith.cmpi eq, %get3A_1, %eq3A_230 : vector<128x128xi32>
    %convert_element_type3A_232 = arith.extui %eq3A_231 : vector<128x128xi1> to vector<128x128xi32>
    %convert_element_type3A_233 = arith.sitofp %convert_element_type3A_232 : vector<128x128xi32> to vector<128x128xf32>
    %slice3A_234 = vector.extract_strided_slice %dot_general3A_77 {offsets = [0, 6], sizes = [128, 1], strides = [1, 1]} : vector<128x8xf32> to vector<128x1xf32>
    %add3A_235 = vector.broadcast %slice3A_234 : vector<128x1xf32> to vector<128x128xf32>
    %add3A_236 = arith.addf %dot_general3A_65, %add3A_235 : vector<128x128xf32>
    %sub3A_237 = arith.constant 1.000000e+00 : f32
    %sub3A_238 = vector.broadcast %sub3A_237 : f32 to vector<128x128xf32>
    %sub3A_239 = arith.subf %add3A_236, %sub3A_238 : vector<128x128xf32>
    %add3A_240 = vector.broadcast %add3A_206 : vector<1x1xf32> to vector<128x128xf32>
    %add3A_241 = arith.addf %sub3A_239, %add3A_240 : vector<128x128xf32>
    %mul3A_242 = arith.mulf %convert_element_type3A_233, %add3A_241 : vector<128x128xf32>
    %add3A_243 = arith.addf %add3A_221, %mul3A_242 : vector<128x128xf32>
    %ge3A_244 = vector.broadcast %add3A_228 : vector<1x1xf32> to vector<1x128xf32>
    %ge3A_245 = arith.cmpf oge, %mul3A_94, %ge3A_244 : vector<1x128xf32>
    %convert_element_type3A_246 = arith.extui %ge3A_245 : vector<1x128xi1> to vector<1x128xi32>
    %convert_element_type3A_247 = arith.sitofp %convert_element_type3A_246 : vector<1x128xi32> to vector<1x128xf32>
    %add3A_248 = arith.addf %add3A_226, %convert_element_type3A_247 : vector<1x128xf32>
    %slice3A_249 = vector.extract_strided_slice %mul3A_86 {offsets = [0, 7], sizes = [1, 1], strides = [1, 1]} : vector<1x8xf32> to vector<1x1xf32>
    %add3A_250 = arith.addf %add3A_228, %slice3A_249 : vector<1x1xf32>
    %eq3A_251 = arith.constant 7 : i32
    %eq3A_252 = vector.broadcast %eq3A_251 : i32 to vector<128x128xi32>
    %eq3A_253 = arith.cmpi eq, %get3A_1, %eq3A_252 : vector<128x128xi32>
    %convert_element_type3A_254 = arith.extui %eq3A_253 : vector<128x128xi1> to vector<128x128xi32>
    %convert_element_type3A_255 = arith.sitofp %convert_element_type3A_254 : vector<128x128xi32> to vector<128x128xf32>
    %slice3A_256 = vector.extract_strided_slice %dot_general3A_77 {offsets = [0, 7], sizes = [128, 1], strides = [1, 1]} : vector<128x8xf32> to vector<128x1xf32>
    %add3A_257 = vector.broadcast %slice3A_256 : vector<128x1xf32> to vector<128x128xf32>
    %add3A_258 = arith.addf %dot_general3A_74, %add3A_257 : vector<128x128xf32>
    %sub3A_259 = arith.constant 1.000000e+00 : f32
    %sub3A_260 = vector.broadcast %sub3A_259 : f32 to vector<128x128xf32>
    %sub3A_261 = arith.subf %add3A_258, %sub3A_260 : vector<128x128xf32>
    %add3A_262 = vector.broadcast %add3A_228 : vector<1x1xf32> to vector<128x128xf32>
    %add3A_263 = arith.addf %sub3A_261, %add3A_262 : vector<128x128xf32>
    %mul3A_264 = arith.mulf %convert_element_type3A_255, %add3A_263 : vector<128x128xf32>
    %add3A_265 = arith.addf %add3A_243, %mul3A_264 : vector<128x128xf32>
    %ge3A_266 = vector.broadcast %add3A_250 : vector<1x1xf32> to vector<1x128xf32>
    %ge3A_267 = arith.cmpf oge, %mul3A_94, %ge3A_266 : vector<1x128xf32>
    %convert_element_type3A_268 = arith.extui %ge3A_267 : vector<1x128xi1> to vector<1x128xi32>
    %convert_element_type3A_269 = arith.sitofp %convert_element_type3A_268 : vector<1x128xi32> to vector<1x128xf32>
    %add3A_270 = arith.addf %add3A_248, %convert_element_type3A_269 : vector<1x128xf32>
    %convert_element_type3A_271 = arith.fptosi %add3A_265 : vector<128x128xf32> to vector<128x128xi32>
    %swap3A = arith.constant 0 : index
    %swap3A_272 = arith.constant 0 : index
    %swap3A_273 = vector.load %arg1[%swap3A, %swap3A_272] : memref<128x128xi32, #tpu.memory_space<vmem>>, vector<128x128xi32>
    tpu.vector_store %arg1[%swap3A, %swap3A_272], %convert_element_type3A_271 {strides = array<i32>} : memref<128x128xi32, #tpu.memory_space<vmem>>, vector<128x128xi32>,
    %min3A = arith.constant 7.000000e+00 : f32
    %min3A_274 = vector.broadcast %min3A : f32 to vector<1x128xf32>
    %min3A_275 = arith.minimumf %add3A_270, %min3A_274 : vector<1x128xf32>
    %convert_element_type3A_276 = arith.fptosi %min3A_275 : vector<1x128xf32> to vector<1x128xi32>
    %swap3A_277 = arith.constant 0 : index
    %swap3A_278 = arith.constant 0 : index
    %swap3A_279 = vector.load %arg2[%swap3A_277, %swap3A_278] : memref<1x128xi32, #tpu.memory_space<vmem>>, vector<1x128xi32>
    tpu.vector_store %arg2[%swap3A_277, %swap3A_278], %convert_element_type3A_276 {strides = array<i32>} : memref<1x128xi32, #tpu.memory_space<vmem>>, vector<1x128xi32>,
    return
  }
}

module attributes {stable_mosaic.version = 14 : i64} {
  func.func @_ffn_kernel(%arg0: i32, %arg1: memref<72xi32, #tpu.memory_space<smem>>, %arg2: memref<256x2048xf32, #tpu.memory_space<vmem>>, %arg3: memref<8x2048x128xbf16, #tpu.memory_space<vmem>>, %arg4: memref<8x128xf32, #tpu.memory_space<vmem>>, %arg5: memref<8x128x64xbf16, #tpu.memory_space<vmem>>, %arg6: memref<8x64xf32, #tpu.memory_space<vmem>>, %arg7: memref<8x64x1024xbf16, #tpu.memory_space<vmem>>, %arg8: memref<8x1024xf32, #tpu.memory_space<vmem>>, %arg9: memref<256x1024xf32, #tpu.memory_space<vmem>>) attributes {dimension_semantics = [#tpu.dimension_semantics<arbitrary>], iteration_bounds = array<i64: 72>, scalar_prefetch = 1 : i64, scratch_operands = 0 : i64, tpu.core_type = #tpu.core_type<tc>, window_params = [{transform_indices = @transform_0, window_bounds = array<i64: 256, 2048>}, {pipeline_mode = #tpu.pipeline_mode<synchronous>, transform_indices = @transform_1, window_bounds = array<i64: 8, 2048, 128>}, {pipeline_mode = #tpu.pipeline_mode<synchronous>, transform_indices = @transform_2, window_bounds = array<i64: 8, 128>}, {pipeline_mode = #tpu.pipeline_mode<synchronous>, transform_indices = @transform_3, window_bounds = array<i64: 8, 128, 64>}, {pipeline_mode = #tpu.pipeline_mode<synchronous>, transform_indices = @transform_4, window_bounds = array<i64: 8, 64>}, {pipeline_mode = #tpu.pipeline_mode<synchronous>, transform_indices = @transform_5, window_bounds = array<i64: 8, 64, 1024>}, {pipeline_mode = #tpu.pipeline_mode<synchronous>, transform_indices = @transform_6, window_bounds = array<i64: 8, 1024>}, {transform_indices = @transform_7, window_bounds = array<i64: 256, 1024>}]} {
    %get3A = arith.index_cast %arg0 : i32 to index
    %get3A_0 = memref.load %arg1[%get3A] : memref<72xi32, #tpu.memory_space<smem>>
    %get3A_1 = arith.constant 0 : index
    %get3A_2 = arith.constant 0 : index
    %get3A_3 = vector.load %arg2[%get3A_1, %get3A_2] : memref<256x2048xf32, #tpu.memory_space<vmem>>, vector<256x2048xf32>
    %convert_element_type3A = arith.truncf %get3A_3 : vector<256x2048xf32> to vector<256x2048xbf16>
    %get3A_4 = arith.index_cast %get3A_0 : i32 to index
    %get3A_5 = arith.constant 0 : index
    %get3A_6 = arith.constant 0 : index
    %get3A_7 = vector.load %arg3[%get3A_4, %get3A_5, %get3A_6] : memref<8x2048x128xbf16, #tpu.memory_space<vmem>>, vector<1x2048x128xbf16>
    %get3A_8 = vector.shape_cast %get3A_7 : vector<1x2048x128xbf16> to vector<2048x128xbf16>
    %dot_general3A = arith.constant dense<0.000000e+00> : vector<256x128xf32>
    %dot_general3A_9 = tpu.matmul %convert_element_type3A, %get3A_8, %dot_general3A {dimension_numbers = #tpu.dot_dimension_numbers<[1], [0], [0], [1], [0, 0, 1, 1], [], []>, transpose_lhs_hint = false} : vector<256x2048xbf16>, vector<2048x128xbf16>, vector<256x128xf32> -> vector<256x128xf32>
    %get3A_10 = arith.index_cast %get3A_0 : i32 to index
    %get3A_11 = arith.constant 0 : index
    %get3A_12 = vector.load %arg4[%get3A_10, %get3A_11] : memref<8x128xf32, #tpu.memory_space<vmem>>, vector<1x128xf32>
    %get3A_13 = vector.shape_cast %get3A_12 : vector<1x128xf32> to vector<128xf32>
    %broadcast_in_dim3A = vector.shape_cast %get3A_13 : vector<128xf32> to vector<1x128xf32>
    %add3A = vector.broadcast %broadcast_in_dim3A : vector<1x128xf32> to vector<256x128xf32>
    %add3A_14 = arith.addf %dot_general3A_9, %add3A : vector<256x128xf32>
    %max3A = arith.constant 0.000000e+00 : f32
    %max3A_15 = vector.broadcast %max3A : f32 to vector<256x128xf32>
    %max3A_16 = arith.maximumf %add3A_14, %max3A_15 : vector<256x128xf32>
    %convert_element_type3A_17 = arith.truncf %max3A_16 : vector<256x128xf32> to vector<256x128xbf16>
    %get3A_18 = arith.index_cast %get3A_0 : i32 to index
    %get3A_19 = arith.constant 0 : index
    %get3A_20 = arith.constant 0 : index
    %get3A_21 = vector.load %arg5[%get3A_18, %get3A_19, %get3A_20] : memref<8x128x64xbf16, #tpu.memory_space<vmem>>, vector<1x128x64xbf16>
    %get3A_22 = vector.shape_cast %get3A_21 : vector<1x128x64xbf16> to vector<128x64xbf16>
    %dot_general3A_23 = arith.constant dense<0.000000e+00> : vector<256x64xf32>
    %dot_general3A_24 = tpu.matmul %convert_element_type3A_17, %get3A_22, %dot_general3A_23 {dimension_numbers = #tpu.dot_dimension_numbers<[1], [0], [0], [1], [0, 0, 1, 1], [], []>, transpose_lhs_hint = false} : vector<256x128xbf16>, vector<128x64xbf16>, vector<256x64xf32> -> vector<256x64xf32>
    %get3A_25 = arith.index_cast %get3A_0 : i32 to index
    %get3A_26 = arith.constant 0 : index
    %get3A_27 = vector.load %arg6[%get3A_25, %get3A_26] : memref<8x64xf32, #tpu.memory_space<vmem>>, vector<1x64xf32>
    %get3A_28 = vector.shape_cast %get3A_27 : vector<1x64xf32> to vector<64xf32>
    %broadcast_in_dim3A_29 = vector.shape_cast %get3A_28 : vector<64xf32> to vector<1x64xf32>
    %add3A_30 = vector.broadcast %broadcast_in_dim3A_29 : vector<1x64xf32> to vector<256x64xf32>
    %add3A_31 = arith.addf %dot_general3A_24, %add3A_30 : vector<256x64xf32>
    %max3A_32 = arith.constant 0.000000e+00 : f32
    %max3A_33 = vector.broadcast %max3A_32 : f32 to vector<256x64xf32>
    %max3A_34 = arith.maximumf %add3A_31, %max3A_33 : vector<256x64xf32>
    %convert_element_type3A_35 = arith.truncf %max3A_34 : vector<256x64xf32> to vector<256x64xbf16>
    %get3A_36 = arith.index_cast %get3A_0 : i32 to index
    %get3A_37 = arith.constant 0 : index
    %get3A_38 = arith.constant 0 : index
    %get3A_39 = vector.load %arg7[%get3A_36, %get3A_37, %get3A_38] : memref<8x64x1024xbf16, #tpu.memory_space<vmem>>, vector<1x64x1024xbf16>
    %get3A_40 = vector.shape_cast %get3A_39 : vector<1x64x1024xbf16> to vector<64x1024xbf16>
    %dot_general3A_41 = arith.constant dense<0.000000e+00> : vector<256x1024xf32>
    %dot_general3A_42 = tpu.matmul %convert_element_type3A_35, %get3A_40, %dot_general3A_41 {dimension_numbers = #tpu.dot_dimension_numbers<[1], [0], [0], [1], [0, 0, 1, 1], [], []>, transpose_lhs_hint = false} : vector<256x64xbf16>, vector<64x1024xbf16>, vector<256x1024xf32> -> vector<256x1024xf32>
    %get3A_43 = arith.index_cast %get3A_0 : i32 to index
    %get3A_44 = arith.constant 0 : index
    %get3A_45 = vector.load %arg8[%get3A_43, %get3A_44] : memref<8x1024xf32, #tpu.memory_space<vmem>>, vector<1x1024xf32>
    %get3A_46 = vector.shape_cast %get3A_45 : vector<1x1024xf32> to vector<1024xf32>
    %broadcast_in_dim3A_47 = vector.shape_cast %get3A_46 : vector<1024xf32> to vector<1x1024xf32>
    %add3A_48 = vector.broadcast %broadcast_in_dim3A_47 : vector<1x1024xf32> to vector<256x1024xf32>
    %add3A_49 = arith.addf %dot_general3A_42, %add3A_48 : vector<256x1024xf32>
    %swap3A = arith.constant 0 : index
    %swap3A_50 = arith.constant 0 : index
    %swap3A_51 = vector.load %arg9[%swap3A, %swap3A_50] : memref<256x1024xf32, #tpu.memory_space<vmem>>, vector<256x1024xf32>
    tpu.vector_store %arg9[%swap3A, %swap3A_50], %add3A_49 {strides = array<i32>} : memref<256x1024xf32, #tpu.memory_space<vmem>>, vector<256x1024xf32>,
    return
  }
  func.func @transform_0(%arg0: i32, %arg1: memref<72xi32, #tpu.memory_space<smem>>) -> (i32, i32) {
    %c0_i32 = arith.constant 0 : i32
    %c0_i32_0 = arith.constant 0 : i32
    return %arg0, %c0_i32 : i32, i32
  }
  func.func @transform_1(%arg0: i32, %arg1: memref<72xi32, #tpu.memory_space<smem>>) -> (i32, i32, i32) {
    %c0_i32 = arith.constant 0 : i32
    %c0_i32_0 = arith.constant 0 : i32
    %c0_i32_1 = arith.constant 0 : i32
    %c0_i32_2 = arith.constant 0 : i32
    return %c0_i32, %c0_i32_0, %c0_i32_1 : i32, i32, i32
  }
  func.func @transform_2(%arg0: i32, %arg1: memref<72xi32, #tpu.memory_space<smem>>) -> (i32, i32) {
    %c0_i32 = arith.constant 0 : i32
    %c0_i32_0 = arith.constant 0 : i32
    %c0_i32_1 = arith.constant 0 : i32
    return %c0_i32, %c0_i32_0 : i32, i32
  }
  func.func @transform_3(%arg0: i32, %arg1: memref<72xi32, #tpu.memory_space<smem>>) -> (i32, i32, i32) {
    %c0_i32 = arith.constant 0 : i32
    %c0_i32_0 = arith.constant 0 : i32
    %c0_i32_1 = arith.constant 0 : i32
    %c0_i32_2 = arith.constant 0 : i32
    return %c0_i32, %c0_i32_0, %c0_i32_1 : i32, i32, i32
  }
  func.func @transform_4(%arg0: i32, %arg1: memref<72xi32, #tpu.memory_space<smem>>) -> (i32, i32) {
    %c0_i32 = arith.constant 0 : i32
    %c0_i32_0 = arith.constant 0 : i32
    %c0_i32_1 = arith.constant 0 : i32
    return %c0_i32, %c0_i32_0 : i32, i32
  }
  func.func @transform_5(%arg0: i32, %arg1: memref<72xi32, #tpu.memory_space<smem>>) -> (i32, i32, i32) {
    %c0_i32 = arith.constant 0 : i32
    %c0_i32_0 = arith.constant 0 : i32
    %c0_i32_1 = arith.constant 0 : i32
    %c0_i32_2 = arith.constant 0 : i32
    return %c0_i32, %c0_i32_0, %c0_i32_1 : i32, i32, i32
  }
  func.func @transform_6(%arg0: i32, %arg1: memref<72xi32, #tpu.memory_space<smem>>) -> (i32, i32) {
    %c0_i32 = arith.constant 0 : i32
    %c0_i32_0 = arith.constant 0 : i32
    %c0_i32_1 = arith.constant 0 : i32
    return %c0_i32, %c0_i32_0 : i32, i32
  }
  func.func @transform_7(%arg0: i32, %arg1: memref<72xi32, #tpu.memory_space<smem>>) -> (i32, i32) {
    %c0_i32 = arith.constant 0 : i32
    %c0_i32_0 = arith.constant 0 : i32
    return %arg0, %c0_i32 : i32, i32
  }
}

module attributes {stable_mosaic.version = 14 : i64} {
  func.func @_combine_kernel(%arg0: i32, %arg1: memref<512x1024xf32, #tpu.memory_space<vmem>>, %arg2: memref<512x1024xf32, #tpu.memory_space<vmem>>, %arg3: memref<512x2xf32, #tpu.memory_space<vmem>>, %arg4: memref<512x1024xf32, #tpu.memory_space<vmem>>) attributes {dimension_semantics = [#tpu.dimension_semantics<arbitrary>], iteration_bounds = array<i64: 16>, scalar_prefetch = 0 : i64, scratch_operands = 0 : i64, tpu.core_type = #tpu.core_type<tc>, window_params = [{transform_indices = @transform_0, window_bounds = array<i64: 512, 1024>}, {transform_indices = @transform_1, window_bounds = array<i64: 512, 1024>}, {transform_indices = @transform_2, window_bounds = array<i64: 512, 2>}, {transform_indices = @transform_3, window_bounds = array<i64: 512, 1024>}]} {
    %get3A = arith.constant 0 : index
    %get3A_0 = arith.constant 0 : index
    %get3A_1 = vector.load %arg3[%get3A, %get3A_0] : memref<512x2xf32, #tpu.memory_space<vmem>>, vector<512x2xf32>
    %slice3A = vector.extract_strided_slice %get3A_1 {offsets = [0, 0], sizes = [512, 1], strides = [1, 1]} : vector<512x2xf32> to vector<512x1xf32>
    %get3A_2 = arith.constant 0 : index
    %get3A_3 = arith.constant 0 : index
    %get3A_4 = vector.load %arg1[%get3A_2, %get3A_3] : memref<512x1024xf32, #tpu.memory_space<vmem>>, vector<512x1024xf32>
    %mul3A = vector.broadcast %slice3A : vector<512x1xf32> to vector<512x1024xf32>
    %mul3A_5 = arith.mulf %mul3A, %get3A_4 : vector<512x1024xf32>
    %slice3A_6 = vector.extract_strided_slice %get3A_1 {offsets = [0, 1], sizes = [512, 1], strides = [1, 1]} : vector<512x2xf32> to vector<512x1xf32>
    %get3A_7 = arith.constant 0 : index
    %get3A_8 = arith.constant 0 : index
    %get3A_9 = vector.load %arg2[%get3A_7, %get3A_8] : memref<512x1024xf32, #tpu.memory_space<vmem>>, vector<512x1024xf32>
    %mul3A_10 = vector.broadcast %slice3A_6 : vector<512x1xf32> to vector<512x1024xf32>
    %mul3A_11 = arith.mulf %mul3A_10, %get3A_9 : vector<512x1024xf32>
    %add3A = arith.addf %mul3A_5, %mul3A_11 : vector<512x1024xf32>
    %swap3A = arith.constant 0 : index
    %swap3A_12 = arith.constant 0 : index
    %swap3A_13 = vector.load %arg4[%swap3A, %swap3A_12] : memref<512x1024xf32, #tpu.memory_space<vmem>>, vector<512x1024xf32>
    tpu.vector_store %arg4[%swap3A, %swap3A_12], %add3A {strides = array<i32>} : memref<512x1024xf32, #tpu.memory_space<vmem>>, vector<512x1024xf32>,
    return
  }
  func.func @transform_0(%arg0: i32) -> (i32, i32) {
    %c0_i32 = arith.constant 0 : i32
    %c0_i32_0 = arith.constant 0 : i32
    return %arg0, %c0_i32 : i32, i32
  }
  func.func @transform_1(%arg0: i32) -> (i32, i32) {
    %add3A = arith.constant 16 : i32
    %add3A_0 = arith.addi %arg0, %add3A : i32
    %c0_i32 = arith.constant 0 : i32
    %c0_i32_1 = arith.constant 0 : i32
    return %add3A_0, %c0_i32 : i32, i32
  }
  func.func @transform_2(%arg0: i32) -> (i32, i32) {
    %c0_i32 = arith.constant 0 : i32
    %c0_i32_0 = arith.constant 0 : i32
    return %arg0, %c0_i32 : i32, i32
  }
  func.func @transform_3(%arg0: i32) -> (i32, i32) {
    %c0_i32 = arith.constant 0 : i32
    %c0_i32_0 = arith.constant 0 : i32
    return %arg0, %c0_i32 : i32, i32
  }
}

</mosaic_0001>

<sc_bundles>
// kernel: kernel.11.cloned.1.call-start
scs
__scs_entry_jumppad:
0x0: {  	(pc) =	sbr.rel $0x88, $3  }
0x1: {  	(tag) =	ssettag $0x0;
	lr =	simm.s32 $0x1  }
0x2: {  	[smem:$0x3F96] =	sst lr;
	_ =	strace $0xD0000000  }
0x3: {  	_ = 	snop  }
0x4: {  	_ = 	snop  }
0x5: {  	_ = 	snop  }
0x6: {  	_ = 	snop  }
0x7: {  	_ = 	snop  }
__scs_overlays_trampoline_lowered:
0x8: {  	[smem:$0x3FA5] =	sst s0  }
0x9: {  	[smem:$0x3FA6] =	sst s1  }
0xa: {  	[smem:$0x3FA7] =	sst s2  }
0xb: {  	[smem:$0x3FA8] =	sst s3  }
0xc: {  	[smem:$0x3FA9] =	sst s4  }
0xd: {  	[smem:$0x3FAA] =	sst s5  }
0xe: {  	[smem:$0x3FAB] =	sst s6  }
0xf: {  	[smem:$0x3FAC] =	sst s7  }
0x10: {  	[smem:$0x3FAD] =	sst s8  }
0x11: {  	[smem:$0x3FAE] =	sst s9;
	s0 =	simm.s32 @!p0 $0x0  }
0x12: {  	s1 =	sld [smem:$0x3F94];
	s0 =	simm.s32 @p0 $0x1  }
0x13: {  	[smem:$0x3FAF] =	sst s0;
	s0 =	simm.s32 @!p1 $0x0  }
0x14: {  	s2 =	sld [smem:$0x3F93];
	s0 =	simm.s32 @p1 $0x1  }
0x15: {  	[smem:$0x3FB0] =	sst s0;
	s0 =	simm.s32 @!p2 $0x0  }
0x16: {  	s3 =	sld [smem:$0x3FDB];
	s0 =	simm.s32 @p2 $0x1  }
0x17: {  	s4 =	simm.s32 $0x1BF5;
	[smem:$0x3FB2] =	sst s0  }
0x18: {  	s0 =	sld [smem:$0x3F95];
	_ =	swait.ge [sflag:s4], $0x0  }
0x19: {  	s7 =	sld [smem:$0x3F96]  }
0x1a: {  	s8 =	sadd.s32 $0xFFFFE003, lr  }
0x1b: {  	s9 =	sadd.s32 $0xFFFFFEF7, lr;
	s5 =	simm.s32 $0xFFFFFFFF;
	p2 =	slt.u32 s8, $0xFFFFF086  }
0x1c: {  	p1 =	slt.u32 s9, $0xF7A;
	s5 =	simm.s32 @!p2 $0x0  }
0x1d: {  	s5 =	simm.s32 @p1 $0x1;
	p0 =	seq.s32 s7, s2  }
0x1e: {  	s7 =	smul.u32 @!p0 $0xF7A, s2;
	p2 =	seq.s32 @!p0 s5, $0x0  }
0x1f: {  	s9 =	smul.u32 $0xF7A, s1;
	s8 =	simm.s32 @!p0 $0x1BF5;
	p2 =	por !p2, p0  }
0x20: {  	[sflag:s8] =	ssyncset.s32 @!p0 $0xFFFFF086;
	s6 =	sadd.s32 @!p0 s3, s7;
	s7 =	simm.s32 @!p0 $0x108  }
0x21: {  	s3 =	sadd.s32 s3, s9;
	s6 =	sadd.s32 @!p0 $0x88, s6;
	s7 =	simm.s32 @p2 $0x1082  }
0x22: {  	[simem:s7], [sflag:s8] =	dma.local @!p0 [hbm:s6], $0xF7A  }
0x23: {  	s9 =	sor.u32 $0xD0000000, s2;
	s6 =	simm.s32 $0x108;
	_ =	swait.ge @!p0 [sflag:s8], $0x0  }
0x24: {  	s3 =	sadd.s32 $0x88, s3;
	s6 =	simm.s32 @!p1 $0x1082;
	[sflag:s4] =	ssyncset.s32 $0xFFFFF086  }
0x25: {  	[simem:s6], [sflag:s4] =	dma.local [hbm:s3], $0xF7A  }
0x26: {  	[smem:$0x3F96] =	sst s1;
	(tag) =	ssettag s2;
	_ =	strace s9  }
0x27: {  	s1 =	sld [smem:$0x3FA6]  }
0x28: {  	s2 =	sld [smem:$0x3FA7]  }
0x29: {  	s4 =	sld [smem:$0x3FA9]  }
0x2a: {  	p0 =	seq.s32 s5, $0x0;
	s5 =	sld [smem:$0x3FAA]  }
0x2b: {  	s6 =	sld [smem:$0x3FAB]  }
0x2c: {  	s7 =	sld [smem:$0x3FAC]  }
0x2d: {  	s3 =	simm.s32 $0x108;
	s8 =	sld [smem:$0x3FAD]  }
0x2e: {  	s3 =	simm.s32 @!p0 $0x1082;
	s9 =	sld [smem:$0x3FAE]  }
0x2f: {  	lr =	sadd.s32 s0, s3;
	s0 =	sld [smem:$0x3FA5]  }
0x30: {  	s3 =	sld [smem:$0x3FA8]  }
0x31: {  	[smem:$0x3FB1] =	sst s10  }
0x32: {  	s10 =	sld [smem:$0x3FAF];
	_ =	sdelay $0x3  }
0x33: {  	p0 =	seq.s32 s10, $0x1;
	s10 =	sld [smem:$0x3FB1];
	_ =	sdelay $0x3  }
0x34: {  	[smem:$0x3FB1] =	sst s10  }
0x35: {  	s10 =	sld [smem:$0x3FB0];
	_ =	sdelay $0x3  }
0x36: {  	p1 =	seq.s32 s10, $0x1;
	s10 =	sld [smem:$0x3FB1];
	_ =	sdelay $0x3  }
0x37: {  	[smem:$0x3FB1] =	sst s10  }
0x38: {  	s10 =	sld [smem:$0x3FB2]  }
0x39: {  	_ = 	snop;
	(pc) =	sbr.ind lr, $3  }
0x3a: {  	_ = 	snop  }
0x3b: {  	_ = 	snop  }
0x3c: {  	p2 =	seq.s32 s10, $0x1;
	s10 =	sld [smem:$0x3FB1]  }
0x3d: {  	_ =	shalt  }
0x3e: {  	_ =	shalt  }
0x3f: {  	_ =	shalt  }
0x40: {  	_ =	shalt  }
0x41: {  	_ =	shalt  }
0x42: {  	_ =	shalt  }
0x43: {  	_ =	shalt  }
0x44: {  	_ =	shalt  }
0x45: {  	_ =	shalt  }
0x46: {  	_ =	shalt  }
0x47: {  	_ =	shalt  }
0x48: {  	_ =	shalt  }
0x49: {  	_ =	shalt  }
0x4a: {  	_ =	shalt  }
0x4b: {  	_ =	shalt  }
0x4c: {  	_ =	shalt  }
0x4d: {  	_ =	shalt  }
0x4e: {  	_ =	shalt  }
0x4f: {  	_ =	shalt  }
0x50: {  	_ =	shalt  }
0x51: {  	_ =	shalt  }
0x52: {  	_ =	shalt  }
0x53: {  	_ =	shalt  }
0x54: {  	_ =	shalt  }
0x55: {  	_ =	shalt  }
0x56: {  	_ =	shalt  }
0x57: {  	_ =	shalt  }
0x58: {  	_ =	shalt  }
0x59: {  	_ =	shalt  }
0x5a: {  	_ =	shalt  }
0x5b: {  	_ =	shalt  }
0x5c: {  	_ =	shalt  }
0x5d: {  	_ =	shalt  }
0x5e: {  	_ =	shalt  }
0x5f: {  	_ =	shalt  }
0x60: {  	_ =	shalt  }
0x61: {  	_ =	shalt  }
0x62: {  	_ =	shalt  }
0x63: {  	_ =	shalt  }
0x64: {  	_ =	shalt  }
0x65: {  	_ =	shalt  }
0x66: {  	_ =	shalt  }
0x67: {  	_ =	shalt  }
0x68: {  	_ =	shalt  }
0x69: {  	_ =	shalt  }
0x6a: {  	_ =	shalt  }
0x6b: {  	_ =	shalt  }
0x6c: {  	_ =	shalt  }
0x6d: {  	_ =	shalt  }
0x6e: {  	_ =	shalt  }
0x6f: {  	_ =	shalt  }
0x70: {  	_ =	shalt  }
0x71: {  	_ =	shalt  }
0x72: {  	_ =	shalt  }
0x73: {  	_ =	shalt  }
0x74: {  	_ =	shalt  }
0x75: {  	_ =	shalt  }
0x76: {  	_ =	shalt  }
0x77: {  	_ =	shalt  }
0x78: {  	_ =	shalt  }
0x79: {  	_ =	shalt  }
0x7a: {  	_ =	shalt  }
0x7b: {  	_ =	shalt  }
0x7c: {  	_ =	shalt  }
0x7d: {  	_ =	shalt  }
0x7e: {  	_ =	shalt  }
0x7f: {  	_ =	shalt  }
0x80: {  	_ =	shalt  }
0x81: {  	_ =	shalt  }
0x82: {  	_ =	shalt  }
0x83: {  	_ =	shalt  }
0x84: {  	_ =	shalt  }
0x85: {  	_ =	shalt  }
0x86: {  	_ =	shalt  }
0x87: {  	_ =	shalt  }
.Lfunc_end0:
.L_simem_size_0:
called_computation.1_lowered:
.L_overlay_start_0:
0x88: {  	s2 =	sld [smem:$0x3FD9]  }
0x89: {  	s3 =	sld [smem:$0x3FFE];
	_ =	sdelay $0x1  }
0x8a: {  	s1 =	srdreg.scid  }
0x8b: {  	s0 =	sand.u32 $0x1, s1  }
0x8c: {  	s16 =	sshll.u32 s0, $0xA;
	s2 =	sadd.s32 s3, s2  }
0x8d: {  	s2 =	sadd.s32 s2, s16  }
0x8e: {  	[smem:$0x3FBD] =	sst s2  }
0x8f: {  	_ = 	snop  }
0x90: {  	(tm) =	ssettm $0x1  }
0x91: {  	s17 =	sld [smem:$0x3FFB];
	_ =	sdelay $0x3  }
0x92: {  	_ =	strace s17  }
0x93: {  	s2 =	sld [smem:$0x3FFC];
	_ =	sdelay $0x3  }
0x94: {  	_ =	strace s2  }
0x95: {  	s2 =	sld [smem:$0x3FFD];
	_ =	sdelay $0x3  }
0x96: {  	_ =	strace s2  }
0x97: {  	_ =	strace $0x8FFFFFFF  }
0x98: {  	s18 =	sld [smem:$0x3FDB];
	_ =	sdelay $0x1  }
0x99: {  	s19 =	simm.s32 $_scs_section_size  }
0x9a: {  	s4 =	simm.s32 $_size__tile_overlayer_lowered;
	s5 =	simm.s32 $_tile_overlayer_lowered  }
0x9b: {  	s22 =	simm.s32 $0x1BFF;
	s21 =	sshll.u32 s5, $0x1;
	s2 =	sadd.s32 s19, s18  }
0x9c: {  	s6 =	simm.s32 $0x0;
	s20 =	sshll.u32 s4, $0x1;
	s4 =	sadd.s32 s21, s2  }
0x9d: {  	[timem:s6], [sflag:s22] =	dma.local [hbm:s4], s20  }
0x9e: {  	_ =	swait.ge [sflag:s22], s20  }
0x9f: {  	s3 =	ssub.s32 $0x0, s20;
	[sflag:s22] =	ssyncset.done $0x0  }
0xa0: {  	[sflag:s22] =	ssyncadd.s32 s3;
	_ =	sdelay $0x1  }
0xa1: {  	s23 =	simm.s32 $0x1B8B  }
0xa2: {  	_ =	swait.ge [sflag:s23], $0x1  }
0xa3: {  	[sflag:s23] =	ssyncset.done $0x0  }
0xa4: {  	s25 =	simm.s32 $0x1B8E;
	s24 =	sld [smem:$0x3FFE];
	[sflag:s23] =	ssyncadd.s32 $0xFFFFFFFF  }
0xa5: {  	s26 =	simm.s32 $execute0_lowered;
	[smem:$0x3FD2] =	sst s25  }
0xa6: {  	s4 =	sshll.u32 s26, $0x1;
	_ =	strace $0x80000049;
	[dreg:$0x1] =	wrdreg $0xFFFFFFFF  }
0xa7: {  	s28 =	simm.s32 $_size_execute0_lowered;
	s2 =	sadd.s32 s2, s4;
	[dreg:$0x0] =	wrdreg $0x0  }
0xa8: {  	s4 =	sshll.u32 s28, $0x1;
	[dreg:$0x2] =	wrdreg s2  }
0xa9: {  	[dreg:$0x3] =	wrdreg s4  }
0xaa: {  	[dreg:$0x4] =	wrdreg $0xC0  }
0xab: {  	_ =	task [dreg:s6], $0x5FFFF  }
0xac: {  	[dreg:$0x1] =	wrdreg $0xFFFFFFFF  }
0xad: {  	[dreg:$0x0] =	wrdreg $0x60  }
0xae: {  	[dreg:$0x2] =	wrdreg s24  }
0xaf: {  	[dreg:$0x3] =	wrdreg $0x9  }
0xb0: {  	_ =	task.clear_ibuf [dreg:s6], $0x4FFFF;
	_ =	strace $0x90000049  }
0xb1: {  	s29 =	simm.s32 $0x9;
	_ =	strace $0x8000004B  }
0xb2: {  	_ =	swait.ge [sflag:s29], $0x1  }
0xb3: {  	[sflag:s29] =	ssyncadd.s32 $0xFFFFFFFF  }
0xb4: {  	_ =	strace $0x9000004B  }
0xb5: {  	_ =	sfence  }
0xb6: {  	s30 =	sld [smem:$0x0];
	_ =	sdelay $0x2  }
0xb7: {  	s31 =	sshll.u32 s1, $0xD;
	s1 =	sshrl.u32 s1, $0x2  }
0xb8: {  	s3 =	sand.u32 $0x4000, s31;
	s1 =	sadd.s32 s1, s30  }
0xb9: {  	s0 =	sor.u32 s3, s0;
	s1 =	sshll.u32 s1, $0x11  }
0xba: {  	s0 =	sor.u32 s1, s0  }
0xbb: {  	s0 =	sadd.s32 $0x8F2B, s0  }
0xbc: {  	[sflag:s0] =	ssyncadd.remote.s32 $0x1  }
0xbd: {  	_ =	sfence.sel $0xFFFF  }
0xbe: {  	[dreg:$0x0] =	wrdreg $0xFFFFFFFF;
	(pc) =	sbr.abs _section_cstart, $3  }
0xbf: {  	[dreg:$0x1] =	wrdreg $0xFFFFFFFF  }
0xc0: {  	_ =	task.clear_ibuf [dreg:s6], $0x2FFFF;
	_ =	strace $0x9FFFFFFF  }
0xc1: {  	(tm) =	ssettm $0x7FFFFFFF  }
tec
execute0_lowered:
.L_overlay_start_1:
0x0: {  	(tag) =	ssettag $0x1  }
0x1: {  	s0 =	rddreg [dreg:$0x0];
	s1 =	srdreg.scid;
	s2 =	simm.s32 $0x0  }
0x2: {  	s6 =	stileid.u32;
	s9 =	simm.s32 $0x3;
	s10 =	simm.s32 $0x200  }
0x3: {  	s14 =	simm.s32 $0x8A00;
	s15 =	simm.s32 $0x9200;
	s16 =	simm.s32 $0x9A00  }
0x4: {  	s17 =	simm.s32 $0xA200;
	s18 =	simm.s32 $0xAA00;
	s19 =	simm.s32 $0xB200  }
0x5: {  	s20 =	simm.s32 $0xBA00;
	s21 =	simm.s32 $0xC200;
	s22 =	simm.s32 $0xCA00  }
0x6: {  	s23 =	simm.s32 $0xD200;
	s24 =	simm.s32 $0xDA00;
	[smem:$0x7FF] =	sst s2  }
0x7: {  	s25 =	simm.s32 $0xE200;
	_ =	strace $0x8000004A;
	[dreg:$0x3] =	wrdreg s14  }
0x8: {  	s26 =	simm.s32 $0xEA00;
	s28 =	simm.s32 $0xF200;
	[dreg:$0x4] =	wrdreg s15  }
0x9: {  	s29 =	simm.s32 $0xFA00;
	s30 =	simm.s32 $0x1;
	[dreg:$0x5] =	wrdreg s16  }
0xa: {  	s31 =	simm.s32 $0x2;
	s1 =	sand.u32 $0x1, s1;
	[dreg:$0x6] =	wrdreg s17  }
0xb: {  	s3 =	sshll.u32 s6, $0xA;
	s6 =	sshll.u32 s6, $0x11;
	[dreg:$0x7] =	wrdreg s18  }
0xc: {  	s4 =	sshll.u32 s1, $0x9;
	s5 =	ssub.s32 $0x2, s1;
	[dreg:$0x8] =	wrdreg s19  }
0xd: {  	s6 =	sadd.s32 s6, s0;
	s1 =	sshll.u32 s1, $0x10;
	[dreg:$0x9] =	wrdreg s20  }
0xe: {  	s15 =	simm.s32 $0x2A00;
	s16 =	simm.s32 $0x3200;
	[dreg:$0xa] =	wrdreg s21  }
0xf: {  	s17 =	simm.s32 $0x3A00;
	s18 =	simm.s32 $0x4200;
	[dreg:$0xb] =	wrdreg s22  }
0x10: {  	s19 =	simm.s32 $0x4A00;
	s20 =	simm.s32 $0x5200;
	[dreg:$0xc] =	wrdreg s23  }
0x11: {  	s21 =	simm.s32 $0x5A00;
	s22 =	simm.s32 $0x6200;
	[dreg:$0xd] =	wrdreg s24  }
0x12: {  	s23 =	simm.s32 $0x6A00;
	[dreg:$0xe] =	wrdreg s25;
	s24 =	simm.s32 $0x7200  }
0x13: {  	[dreg:$0xf] =	wrdreg s26;
	s25 =	simm.s32 $0x7A00;
	s26 =	simm.s32 $0x8200  }
0x14: {  	s4 =	sor.u32 s4, s3;
	s3 =	sadd.s32 $0x486E00, s0;
	s7 =	sshrl.u32 s5, $0x1  }
0x15: {  	s1 =	sadd.s32 s1, s6;
	s6 =	sadd.s32 $0x487000, s0;
	s4 =	sshrl.u32 s4, $0x3  }
0x16: {  	v2 =	vlaneseq.u32;
	s8 =	ssub.s32 s5, s7;
	s5 =	sadd.s32 $0x486F00, s0;
	s7 =	sadd.s32 $0x487100, s0  }
0x17: {  	vm0 =	vmmov $0xffff;
	v1 =	vshrl.u32 v2, $0x3;
	s13 =	sadd.s32 $0x2C00, s1;
	s4 =	sadd.s32 s4, s0;
	s8 =	smax.u32 s8, $0x1  }
0x18: {  	v0 =	vand.u32 $0x7, v2;
	v2 =	vor.u32 $0x8, v2;
	v1 =	vmul.u32 $0x8, v1;
	[dreg:$0x2] =	wrdreg s13;
	s0 =	simm.s32 $0x0;
	s4 =	sadd.s32 $0x2400, s4  }
.LBB2_1:
0x19: {  	[tilespmem:s2], [sflag:$0x3] =	stream.linear.gather [hbm4b:s4+s2], $0x200, $0x38;
	[tilespmem:$0x10200] =	vst v63  }
0x1a: {  	_ =	swait.ge [sflag:s9], $0x200  }
0x1b: {  	[sflag:s9] =	ssyncset.done $0x0  }
0x1c: {  	[sflag:s9] =	ssyncadd.s32 $0xFFFFFE00  }
0x1d: {  	v3 =	vld [tilespmem:$0x0];
	_ =	sdelay $0x4  }
0x1e: {  	v4 =	vshll.u32 v3, $0x3  }
0x1f: {  	v3 =	vand.u32 $0x7, v3;
	v4 =	vand.u32 $0xFFFFFFC0, v4  }
0x20: {  	v3 =	vor.u32 v3, v4  }
0x21: {  	v4 =	vperm.xlane v3, v0;
	_ =	sdelay $0x1  }
0x22: {  	v4 =	vadd.s32 v1, v4;
	_ =	sdelay $0x4  }
0x23: {  	[tilespmem:s10], [sflag:$0x1] =	stream.indirect_vreg.gather [hbm4b:s3+s2], $0x80, v4, vm0, $0xb8;
	[tilespmem:$0x10200] =	vst v63  }
0x24: {  	s1 =	simm.s32 $0xA00;
	v3 =	vperm.xlane v3, v2  }
0x25: {  	[tilespmem:s1], [sflag:$0x1] =	stream.indirect_vreg.gather [hbm4b:s5+s2], $0x80, v4, vm0, $0xb8;
	[tilespmem:$0x10200] =	vst v63  }
0x26: {  	s12 =	simm.s32 $0x1200;
	v3 =	vadd.s32 v1, v3  }
0x27: {  	[tilespmem:s12], [sflag:$0x1] =	stream.indirect_vreg.gather [hbm4b:s6+s2], $0x80, v4, vm0, $0xb8;
	[tilespmem:$0x10200] =	vst v63  }
0x28: {  	s13 =	simm.s32 $0x1A00  }
0x29: {  	[tilespmem:s13], [sflag:$0x1] =	stream.indirect_vreg.gather [hbm4b:s7+s2], $0x80, v4, vm0, $0xb8;
	[tilespmem:$0x10200] =	vst v63  }
0x2a: {  	s14 =	simm.s32 $0x2200  }
0x2b: {  	[tilespmem:s14], [sflag:$0x1] =	stream.indirect_vreg.gather [hbm4b:s3+s2], $0x80, v3, vm0, $0xb8;
	[tilespmem:$0x10200] =	vst v63  }
0x2c: {  	_ = 	snop  }
0x2d: {  	[tilespmem:s15], [sflag:$0x1] =	stream.indirect_vreg.gather [hbm4b:s5+s2], $0x80, v3, vm0, $0xb8;
	[tilespmem:$0x10200] =	vst v63  }
0x2e: {  	_ = 	snop  }
0x2f: {  	[tilespmem:s16], [sflag:$0x1] =	stream.indirect_vreg.gather [hbm4b:s6+s2], $0x80, v3, vm0, $0xb8;
	[tilespmem:$0x10200] =	vst v63  }
0x30: {  	_ = 	snop  }
0x31: {  	[tilespmem:s17], [sflag:$0x1] =	stream.indirect_vreg.gather [hbm4b:s7+s2], $0x80, v3, vm0, $0xb8;
	[tilespmem:$0x10200] =	vst v63  }
0x32: {  	v3 =	vld [tilespmem:$0x10];
	_ =	sdelay $0x4  }
0x33: {  	v63 =	vshll.u32 v3, $0x3  }
0x34: {  	v3 =	vand.u32 $0x7, v3;
	v4 =	vand.u32 $0xFFFFFFC0, v63  }
0x35: {  	v3 =	vor.u32 v3, v4  }
0x36: {  	v4 =	vperm.xlane v3, v0;
	_ =	sdelay $0x1  }
0x37: {  	v4 =	vadd.s32 v1, v4;
	_ =	sdelay $0x4  }
0x38: {  	[tilespmem:s18], [sflag:$0x1] =	stream.indirect_vreg.gather [hbm4b:s3+s2], $0x80, v4, vm0, $0xb8;
	[tilespmem:$0x10200] =	vst v63  }
0x39: {  	v3 =	vperm.xlane v3, v2  }
0x3a: {  	[tilespmem:s19], [sflag:$0x1] =	stream.indirect_vreg.gather [hbm4b:s5+s2], $0x80, v4, vm0, $0xb8;
	[tilespmem:$0x10200] =	vst v63  }
0x3b: {  	v3 =	vadd.s32 v1, v3  }
0x3c: {  	[tilespmem:s20], [sflag:$0x1] =	stream.indirect_vreg.gather [hbm4b:s6+s2], $0x80, v4, vm0, $0xb8;
	[tilespmem:$0x10200] =	vst v63  }
0x3d: {  	_ = 	snop  }
0x3e: {  	[tilespmem:s21], [sflag:$0x1] =	stream.indirect_vreg.gather [hbm4b:s7+s2], $0x80, v4, vm0, $0xb8;
	[tilespmem:$0x10200] =	vst v63  }
0x3f: {  	_ = 	snop  }
0x40: {  	[tilespmem:s22], [sflag:$0x1] =	stream.indirect_vreg.gather [hbm4b:s3+s2], $0x80, v3, vm0, $0xb8;
	[tilespmem:$0x10200] =	vst v63  }
0x41: {  	_ = 	snop  }
0x42: {  	[tilespmem:s23], [sflag:$0x1] =	stream.indirect_vreg.gather [hbm4b:s5+s2], $0x80, v3, vm0, $0xb8;
	[tilespmem:$0x10200] =	vst v63  }
0x43: {  	_ = 	snop  }
0x44: {  	[tilespmem:s24], [sflag:$0x1] =	stream.indirect_vreg.gather [hbm4b:s6+s2], $0x80, v3, vm0, $0xb8;
	[tilespmem:$0x10200] =	vst v63  }
0x45: {  	s11 =	simm.s32 $0x0;
	s1 =	simm.s32 $0x30  }
0x46: {  	[tilespmem:s25], [sflag:$0x1] =	stream.indirect_vreg.gather [hbm4b:s7+s2], $0x80, v3, vm0, $0xb8;
	[tilespmem:$0x10200] =	vst v63  }
.LBB2_2:
0x47: {  	p0 =	seq.s32 s11, $0x0  }
0x48: {  	s12 =	simm.s32 @!p0 $0x2  }
0x49: {  	_ =	swait.ge @!p0 [sflag:s12], $0x8000  }
0x4a: {  	[sflag:s12] =	ssyncset.done @!p0 $0x0  }
0x4b: {  	[sflag:s12] =	ssyncadd.s32 @!p0 $0xFFFF8000  }
0x4c: {  	v3 =	vld [tilespmem:s1+$0xFFFFFFF0];
	_ =	sdelay $0x4  }
0x4d: {  	v4 =	vshll.u32 v3, $0x3  }
0x4e: {  	v3 =	vand.u32 $0x7, v3;
	v4 =	vand.u32 $0xFFFFFFC0, v4  }
0x4f: {  	v3 =	vor.u32 v3, v4  }
0x50: {  	v4 =	vperm.xlane v3, v0;
	_ =	sdelay $0x1  }
0x51: {  	v4 =	vadd.s32 v1, v4;
	_ =	sdelay $0x4  }
0x52: {  	[tilespmem:s26], [sflag:$0x1] =	stream.indirect_vreg.gather [hbm4b:s3+s2], $0x80, v4, vm0, $0xb8;
	[tilespmem:$0x10200] =	vst v63  }
0x53: {  	s14 =	rddreg [dreg:$0x3];
	v3 =	vperm.xlane v3, v2  }
0x54: {  	[tilespmem:s14], [sflag:$0x1] =	stream.indirect_vreg.gather [hbm4b:s5+s2], $0x80, v4, vm0, $0xb8;
	[tilespmem:$0x10200] =	vst v63  }
0x55: {  	s13 =	rddreg [dreg:$0x4];
	v3 =	vadd.s32 v1, v3  }
0x56: {  	[tilespmem:s13], [sflag:$0x1] =	stream.indirect_vreg.gather [hbm4b:s6+s2], $0x80, v4, vm0, $0xb8;
	[tilespmem:$0x10200] =	vst v63  }
0x57: {  	s14 =	rddreg [dreg:$0x5]  }
0x58: {  	[tilespmem:s14], [sflag:$0x1] =	stream.indirect_vreg.gather [hbm4b:s7+s2], $0x80, v4, vm0, $0xb8;
	[tilespmem:$0x10200] =	vst v63  }
0x59: {  	s13 =	rddreg [dreg:$0x6]  }
0x5a: {  	[tilespmem:s13], [sflag:$0x1] =	stream.indirect_vreg.gather [hbm4b:s3+s2], $0x80, v3, vm0, $0xb8;
	[tilespmem:$0x10200] =	vst v63  }
0x5b: {  	s14 =	rddreg [dreg:$0x7]  }
0x5c: {  	[tilespmem:s14], [sflag:$0x1] =	stream.indirect_vreg.gather [hbm4b:s5+s2], $0x80, v3, vm0, $0xb8;
	[tilespmem:$0x10200] =	vst v63  }
0x5d: {  	s13 =	rddreg [dreg:$0x8]  }
0x5e: {  	[tilespmem:s13], [sflag:$0x1] =	stream.indirect_vreg.gather [hbm4b:s6+s2], $0x80, v3, vm0, $0xb8;
	[tilespmem:$0x10200] =	vst v63  }
0x5f: {  	s14 =	rddreg [dreg:$0x9]  }
0x60: {  	[tilespmem:s14], [sflag:$0x1] =	stream.indirect_vreg.gather [hbm4b:s7+s2], $0x80, v3, vm0, $0xb8;
	[tilespmem:$0x10200] =	vst v63  }
0x61: {  	v3 =	vld [tilespmem:s1+$0x0];
	_ =	sdelay $0x4  }
0x62: {  	v63 =	vshll.u32 v3, $0x3  }
0x63: {  	v3 =	vand.u32 $0x7, v3;
	v4 =	vand.u32 $0xFFFFFFC0, v63  }
0x64: {  	v3 =	vor.u32 v3, v4  }
0x65: {  	v4 =	vperm.xlane v3, v0;
	_ =	sdelay $0x1  }
0x66: {  	v4 =	vadd.s32 v1, v4;
	_ =	sdelay $0x3  }
0x67: {  	s13 =	rddreg [dreg:$0xa]  }
0x68: {  	[tilespmem:s13], [sflag:$0x1] =	stream.indirect_vreg.gather [hbm4b:s3+s2], $0x80, v4, vm0, $0xb8;
	[tilespmem:$0x10200] =	vst v63  }
0x69: {  	s14 =	rddreg [dreg:$0xb];
	v3 =	vperm.xlane v3, v2  }
0x6a: {  	[tilespmem:s14], [sflag:$0x1] =	stream.indirect_vreg.gather [hbm4b:s5+s2], $0x80, v4, vm0, $0xb8;
	[tilespmem:$0x10200] =	vst v63  }
0x6b: {  	s12 =	rddreg [dreg:$0xc];
	v3 =	vadd.s32 v1, v3  }
0x6c: {  	[tilespmem:s12], [sflag:$0x1] =	stream.indirect_vreg.gather [hbm4b:s6+s2], $0x80, v4, vm0, $0xb8;
	[tilespmem:$0x10200] =	vst v63  }
0x6d: {  	s14 =	rddreg [dreg:$0xd]  }
0x6e: {  	[tilespmem:s14], [sflag:$0x1] =	stream.indirect_vreg.gather [hbm4b:s7+s2], $0x80, v4, vm0, $0xb8;
	[tilespmem:$0x10200] =	vst v63  }
0x6f: {  	s12 =	rddreg [dreg:$0xe]  }
0x70: {  	[tilespmem:s12], [sflag:$0x1] =	stream.indirect_vreg.gather [hbm4b:s3+s2], $0x80, v3, vm0, $0xb8;
	[tilespmem:$0x10200] =	vst v63  }
0x71: {  	s14 =	rddreg [dreg:$0xf]  }
0x72: {  	[tilespmem:s14], [sflag:$0x1] =	stream.indirect_vreg.gather [hbm4b:s5+s2], $0x80, v3, vm0, $0xb8;
	[tilespmem:$0x10200] =	vst v63  }
0x73: {  	_ = 	snop  }
0x74: {  	[tilespmem:s28], [sflag:$0x1] =	stream.indirect_vreg.gather [hbm4b:s6+s2], $0x80, v3, vm0, $0xb8;
	[tilespmem:$0x10200] =	vst v63  }
0x75: {  	_ = 	snop  }
0x76: {  	[tilespmem:s29], [sflag:$0x1] =	stream.indirect_vreg.gather [hbm4b:s7+s2], $0x80, v3, vm0, $0xb8;
	[tilespmem:$0x10200] =	vst v63  }
0x77: {  	_ =	swait.ge [sflag:s30], $0x8000  }
0x78: {  	s14 =	rddreg [dreg:$0x2];
	[sflag:s30] =	ssyncset.done $0x0  }
0x79: {  	[sflag:s30] =	ssyncadd.s32 $0xFFFF8000;
	s12 =	sadd.s32 s11, s14  }
0x7a: {  	[hbm4b:s12+s2] =	stream.linear.scatter [tilespmem:s10], [sflag:$0x2], $0x8000, $0x38;
	[tilespmem:$0x10200] =	vst v63  }
0x7b: {  	_ =	swait.ge [sflag:s31], $0x8000  }
0x7c: {  	[sflag:s31] =	ssyncset.done $0x0  }
0x7d: {  	p0 =	seq.s32 s11, $0xE000;
	[sflag:s31] =	ssyncadd.s32 $0xFFFF8000  }
0x7e: {  	v3 =	vld @!p0 [tilespmem:s1+$0x10];
	_ =	sdelay $0x4  }
0x7f: {  	v4 =	vshll.u32 @!p0 v3, $0x3  }
0x80: {  	v5 =	vlaneseq.u32 @!p0;
	v3 =	vand.u32 @!p0 $0x7, v3;
	v4 =	vand.u32 @!p0 $0xFFFFFFC0, v4  }
0x81: {  	v6 =	vshrl.u32 @!p0 v5, $0x3;
	v3 =	vor.u32 @!p0 v3, v4;
	v4 =	vand.u32 @!p0 $0x7, v5  }
0x82: {  	v6 =	vmul.u32 @!p0 $0x8, v6;
	v7 =	vperm.xlane @!p0 v3, v4;
	_ =	sdelay $0x1  }
0x83: {  	v7 =	vadd.s32 @!p0 v6, v7;
	_ =	sdelay $0x3  }
0x84: {  	vm1 =	vmmov @!p0 $0xffff;
	s13 =	simm.s32 @!p0 $0x0;
	s14 =	simm.s32 @!p0 $0x200  }
0x85: {  	v5 =	vor.u32 @!p0 $0x8, v5;
	[tilespmem:s14], [sflag:$0x1] =	stream.indirect_vreg.gather @!p0 [hbm4b:s3+s13], $0x80, v7, vm1, $0xb8;
	[tilespmem:$0x10200] =	vst v63  }
0x86: {  	v3 =	vperm.xlane @!p0 v3, v5;
	s14 =	simm.s32 @!p0 $0xA00  }
0x87: {  	[tilespmem:s14], [sflag:$0x1] =	stream.indirect_vreg.gather @!p0 [hbm4b:s5+s13], $0x80, v7, vm1, $0xb8;
	[tilespmem:$0x10200] =	vst v63  }
0x88: {  	v3 =	vadd.s32 @!p0 v6, v3;
	s14 =	simm.s32 @!p0 $0x1200  }
0x89: {  	[tilespmem:s14], [sflag:$0x1] =	stream.indirect_vreg.gather @!p0 [hbm4b:s6+s13], $0x80, v7, vm1, $0xb8;
	[tilespmem:$0x10200] =	vst v63  }
0x8a: {  	s14 =	simm.s32 @!p0 $0x1A00  }
0x8b: {  	[tilespmem:s14], [sflag:$0x1] =	stream.indirect_vreg.gather @!p0 [hbm4b:s7+s13], $0x80, v7, vm1, $0xb8;
	[tilespmem:$0x10200] =	vst v63  }
0x8c: {  	s14 =	simm.s32 @!p0 $0x2200  }
0x8d: {  	[tilespmem:s14], [sflag:$0x1] =	stream.indirect_vreg.gather @!p0 [hbm4b:s3+s13], $0x80, v3, vm1, $0xb8;
	[tilespmem:$0x10200] =	vst v63  }
0x8e: {  	s14 =	simm.s32 @!p0 $0x2A00  }
0x8f: {  	[tilespmem:s14], [sflag:$0x1] =	stream.indirect_vreg.gather @!p0 [hbm4b:s5+s13], $0x80, v3, vm1, $0xb8;
	[tilespmem:$0x10200] =	vst v63  }
0x90: {  	s14 =	simm.s32 @!p0 $0x3200  }
0x91: {  	[tilespmem:s14], [sflag:$0x1] =	stream.indirect_vreg.gather @!p0 [hbm4b:s6+s13], $0x80, v3, vm1, $0xb8;
	[tilespmem:$0x10200] =	vst v63  }
0x92: {  	s14 =	simm.s32 @!p0 $0x3A00  }
0x93: {  	[tilespmem:s14], [sflag:$0x1] =	stream.indirect_vreg.gather @!p0 [hbm4b:s7+s13], $0x80, v3, vm1, $0xb8;
	[tilespmem:$0x10200] =	vst v63  }
0x94: {  	v3 =	vld @!p0 [tilespmem:s1+$0x20];
	_ =	sdelay $0x4  }
0x95: {  	v7 =	vshll.u32 @!p0 v3, $0x3  }
0x96: {  	v3 =	vand.u32 @!p0 $0x7, v3;
	v7 =	vand.u32 @!p0 $0xFFFFFFC0, v7  }
0x97: {  	v3 =	vor.u32 @!p0 v3, v7  }
0x98: {  	v4 =	vperm.xlane @!p0 v3, v4;
	_ =	sdelay $0x1  }
0x99: {  	v4 =	vadd.s32 @!p0 v6, v4;
	_ =	sdelay $0x3  }
0x9a: {  	s14 =	simm.s32 @!p0 $0x4200  }
0x9b: {  	[tilespmem:s14], [sflag:$0x1] =	stream.indirect_vreg.gather @!p0 [hbm4b:s3+s13], $0x80, v4, vm1, $0xb8;
	[tilespmem:$0x10200] =	vst v63  }
0x9c: {  	v3 =	vperm.xlane @!p0 v3, v5;
	s14 =	simm.s32 @!p0 $0x4A00  }
0x9d: {  	[tilespmem:s14], [sflag:$0x1] =	stream.indirect_vreg.gather @!p0 [hbm4b:s5+s13], $0x80, v4, vm1, $0xb8;
	[tilespmem:$0x10200] =	vst v63  }
0x9e: {  	v3 =	vadd.s32 @!p0 v6, v3;
	s14 =	simm.s32 @!p0 $0x5200  }
0x9f: {  	[tilespmem:s14], [sflag:$0x1] =	stream.indirect_vreg.gather @!p0 [hbm4b:s6+s13], $0x80, v4, vm1, $0xb8;
	[tilespmem:$0x10200] =	vst v63  }
0xa0: {  	s14 =	simm.s32 @!p0 $0x5A00  }
0xa1: {  	[tilespmem:s14], [sflag:$0x1] =	stream.indirect_vreg.gather @!p0 [hbm4b:s7+s13], $0x80, v4, vm1, $0xb8;
	[tilespmem:$0x10200] =	vst v63  }
0xa2: {  	s14 =	simm.s32 @!p0 $0x6200  }
0xa3: {  	[tilespmem:s14], [sflag:$0x1] =	stream.indirect_vreg.gather @!p0 [hbm4b:s3+s13], $0x80, v3, vm1, $0xb8;
	[tilespmem:$0x10200] =	vst v63  }
0xa4: {  	s14 =	simm.s32 @!p0 $0x6A00  }
0xa5: {  	[tilespmem:s14], [sflag:$0x1] =	stream.indirect_vreg.gather @!p0 [hbm4b:s5+s13], $0x80, v3, vm1, $0xb8;
	[tilespmem:$0x10200] =	vst v63  }
0xa6: {  	s14 =	simm.s32 @!p0 $0x7200  }
0xa7: {  	[tilespmem:s14], [sflag:$0x1] =	stream.indirect_vreg.gather @!p0 [hbm4b:s6+s13], $0x80, v3, vm1, $0xb8;
	[tilespmem:$0x10200] =	vst v63  }
0xa8: {  	s11 =	sadd.s32 $0x2000, s11;
	s14 =	simm.s32 @!p0 $0x7A00  }
0xa9: {  	[tilespmem:s14], [sflag:$0x1] =	stream.indirect_vreg.gather @!p0 [hbm4b:s7+s13], $0x80, v3, vm1, $0xb8;
	[tilespmem:$0x10200] =	vst v63  }
0xaa: {  	p0 =	sne.s32 s11, $0x10000  }
.Ltmp0:
0xab: {  	_ = 	snop;
	(pc) =	sbr.rel @p0 .LBB2_2-.Ltmp0, $4  }
0xac: {  	_ =	swait.ge [sflag:s30], $0x8000  }
0xad: {  	[sflag:s30] =	ssyncset.done $0x0  }
0xae: {  	s12 =	sadd.s32 $0x1000, s12;
	s1 =	sadd.s32 $0x40, s1;
	[sflag:s30] =	ssyncadd.s32 $0xFFFF8000  }
0xaf: {  	[hbm4b:s12+s2] =	stream.linear.scatter [tilespmem:s26], [sflag:$0x2], $0x8000, $0x38;
	[tilespmem:$0x10200] =	vst v63  }
0xb0: {  	s0 =	sadd.s32 $0x1, s0  }
0xb1: {  	p0 =	sne.s32 s0, s8  }
.Ltmp1:
0xb2: {  	_ = 	snop;
	(pc) =	sbr.rel @p0 .LBB2_1-.Ltmp1, $4  }
0xb3: {  	_ = 	snop  }
0xb4: {  	_ =	swait.ge [sflag:s31], $0x8000  }
0xb5: {  	[sflag:s31] =	ssyncset.done $0x0  }
0xb6: {  	[sflag:s31] =	ssyncadd.s32 $0xFFFF8000  }
0xb7: {  	_ =	sfence.sel $0x180000  }
0xb8: {  	[bflag:$0x0] =	sbarrier.arrive $0xFFFF  }
0xb9: {  	_ =	strace $0x9000004A  }
0xba: {  	s0 =	stileid.u32;
	[bflag:$0x2] =	sbarrier.arrive $0xFFFF  }
0xbb: {  	p0 =	sne.s32 s0, $0x0;
	s0 =	rddreg [dreg:$0x1]  }
0xbc: {  	s0 =	sadd.s32 @!p0 $0x100000, s0  }
0xbd: {  	[sflag:s0] =	ssyncadd.tile.s32 @!p0 $0x1;
	_ =	shalt  }
.Lfunc_end2:
_tile_overlayer_lowered:
.L_overlay_start_2:
0xbe: {  	(tag) =	ssettag $0x2  }
0xbf: {  	s0 =	rddreg [dreg:$0x0];
	s2 =	stileid.u32  }
0xc0: {  	s1 =	rddreg [dreg:$0x1];
	p0 =	sne.s32 s2, $0x0  }
0xc1: {  	s3 =	rddreg [dreg:$0x2];
	[bflag:$0x3] =	sbarrier.arrive $0xFFFF;
	s2 =	simm.s32 @!p0 $0x1C03  }
0xc2: {  	[timem:s3], [sflag:s2] =	dma.local @!p0 [hbm:s0], s1  }
0xc3: {  	s0 =	simm.s32 @!p0 $0x3  }
0xc4: {  	_ =	swait.ge @!p0 [sflag:s0], s1  }
0xc5: {  	s1 =	ssub.s32 @!p0 $0x0, s1;
	[sflag:s0] =	ssyncset.done @!p0 $0x0  }
0xc6: {  	[sflag:s0] =	ssyncadd.s32 @!p0 s1  }
0xc7: {  	[bflag:$0x3] =	sbarrier.arrive $0xFFFF  }
0xc8: {  	_ =	shalt  }

// kernel: kernel.8.cloned.1.call-start
scs
__scs_entry_jumppad:
0x0: {  	(pc) =	sbr.rel $0x88, $3  }
0x1: {  	(tag) =	ssettag $0x0;
	lr =	simm.s32 $0x1  }
0x2: {  	[smem:$0x3F96] =	sst lr;
	_ =	strace $0xD0000000  }
0x3: {  	_ = 	snop  }
0x4: {  	_ = 	snop  }
0x5: {  	_ = 	snop  }
0x6: {  	_ = 	snop  }
0x7: {  	_ = 	snop  }
__scs_overlays_trampoline_lowered:
0x8: {  	[smem:$0x3FA5] =	sst s0  }
0x9: {  	[smem:$0x3FA6] =	sst s1  }
0xa: {  	[smem:$0x3FA7] =	sst s2  }
0xb: {  	[smem:$0x3FA8] =	sst s3  }
0xc: {  	[smem:$0x3FA9] =	sst s4  }
0xd: {  	[smem:$0x3FAA] =	sst s5  }
0xe: {  	[smem:$0x3FAB] =	sst s6  }
0xf: {  	[smem:$0x3FAC] =	sst s7  }
0x10: {  	[smem:$0x3FAD] =	sst s8  }
0x11: {  	[smem:$0x3FAE] =	sst s9;
	s0 =	simm.s32 @!p0 $0x0  }
0x12: {  	s1 =	sld [smem:$0x3F94];
	s0 =	simm.s32 @p0 $0x1  }
0x13: {  	[smem:$0x3FAF] =	sst s0;
	s0 =	simm.s32 @!p1 $0x0  }
0x14: {  	s2 =	sld [smem:$0x3F93];
	s0 =	simm.s32 @p1 $0x1  }
0x15: {  	[smem:$0x3FB0] =	sst s0;
	s0 =	simm.s32 @!p2 $0x0  }
0x16: {  	s3 =	sld [smem:$0x3FDB];
	s0 =	simm.s32 @p2 $0x1  }
0x17: {  	s4 =	simm.s32 $0x1BF5;
	[smem:$0x3FB2] =	sst s0  }
0x18: {  	s0 =	sld [smem:$0x3F95];
	_ =	swait.ge [sflag:s4], $0x0  }
0x19: {  	s7 =	sld [smem:$0x3F96]  }
0x1a: {  	s8 =	sadd.s32 $0xFFFFE003, lr  }
0x1b: {  	s9 =	sadd.s32 $0xFFFFFEF7, lr;
	s5 =	simm.s32 $0xFFFFFFFF;
	p2 =	slt.u32 s8, $0xFFFFF086  }
0x1c: {  	p1 =	slt.u32 s9, $0xF7A;
	s5 =	simm.s32 @!p2 $0x0  }
0x1d: {  	s5 =	simm.s32 @p1 $0x1;
	p0 =	seq.s32 s7, s2  }
0x1e: {  	s7 =	smul.u32 @!p0 $0xF7A, s2;
	p2 =	seq.s32 @!p0 s5, $0x0  }
0x1f: {  	s9 =	smul.u32 $0xF7A, s1;
	s8 =	simm.s32 @!p0 $0x1BF5;
	p2 =	por !p2, p0  }
0x20: {  	[sflag:s8] =	ssyncset.s32 @!p0 $0xFFFFF086;
	s6 =	sadd.s32 @!p0 s3, s7;
	s7 =	simm.s32 @!p0 $0x108  }
0x21: {  	s3 =	sadd.s32 s3, s9;
	s6 =	sadd.s32 @!p0 $0x88, s6;
	s7 =	simm.s32 @p2 $0x1082  }
0x22: {  	[simem:s7], [sflag:s8] =	dma.local @!p0 [hbm:s6], $0xF7A  }
0x23: {  	s9 =	sor.u32 $0xD0000000, s2;
	s6 =	simm.s32 $0x108;
	_ =	swait.ge @!p0 [sflag:s8], $0x0  }
0x24: {  	s3 =	sadd.s32 $0x88, s3;
	s6 =	simm.s32 @!p1 $0x1082;
	[sflag:s4] =	ssyncset.s32 $0xFFFFF086  }
0x25: {  	[simem:s6], [sflag:s4] =	dma.local [hbm:s3], $0xF7A  }
0x26: {  	[smem:$0x3F96] =	sst s1;
	(tag) =	ssettag s2;
	_ =	strace s9  }
0x27: {  	s1 =	sld [smem:$0x3FA6]  }
0x28: {  	s2 =	sld [smem:$0x3FA7]  }
0x29: {  	s4 =	sld [smem:$0x3FA9]  }
0x2a: {  	p0 =	seq.s32 s5, $0x0;
	s5 =	sld [smem:$0x3FAA]  }
0x2b: {  	s6 =	sld [smem:$0x3FAB]  }
0x2c: {  	s7 =	sld [smem:$0x3FAC]  }
0x2d: {  	s3 =	simm.s32 $0x108;
	s8 =	sld [smem:$0x3FAD]  }
0x2e: {  	s3 =	simm.s32 @!p0 $0x1082;
	s9 =	sld [smem:$0x3FAE]  }
0x2f: {  	lr =	sadd.s32 s0, s3;
	s0 =	sld [smem:$0x3FA5]  }
0x30: {  	s3 =	sld [smem:$0x3FA8]  }
0x31: {  	[smem:$0x3FB1] =	sst s10  }
0x32: {  	s10 =	sld [smem:$0x3FAF];
	_ =	sdelay $0x3  }
0x33: {  	p0 =	seq.s32 s10, $0x1;
	s10 =	sld [smem:$0x3FB1];
	_ =	sdelay $0x3  }
0x34: {  	[smem:$0x3FB1] =	sst s10  }
0x35: {  	s10 =	sld [smem:$0x3FB0];
	_ =	sdelay $0x3  }
0x36: {  	p1 =	seq.s32 s10, $0x1;
	s10 =	sld [smem:$0x3FB1];
	_ =	sdelay $0x3  }
0x37: {  	[smem:$0x3FB1] =	sst s10  }
0x38: {  	s10 =	sld [smem:$0x3FB2]  }
0x39: {  	_ = 	snop;
	(pc) =	sbr.ind lr, $3  }
0x3a: {  	_ = 	snop  }
0x3b: {  	_ = 	snop  }
0x3c: {  	p2 =	seq.s32 s10, $0x1;
	s10 =	sld [smem:$0x3FB1]  }
0x3d: {  	_ =	shalt  }
0x3e: {  	_ =	shalt  }
0x3f: {  	_ =	shalt  }
0x40: {  	_ =	shalt  }
0x41: {  	_ =	shalt  }
0x42: {  	_ =	shalt  }
0x43: {  	_ =	shalt  }
0x44: {  	_ =	shalt  }
0x45: {  	_ =	shalt  }
0x46: {  	_ =	shalt  }
0x47: {  	_ =	shalt  }
0x48: {  	_ =	shalt  }
0x49: {  	_ =	shalt  }
0x4a: {  	_ =	shalt  }
0x4b: {  	_ =	shalt  }
0x4c: {  	_ =	shalt  }
0x4d: {  	_ =	shalt  }
0x4e: {  	_ =	shalt  }
0x4f: {  	_ =	shalt  }
0x50: {  	_ =	shalt  }
0x51: {  	_ =	shalt  }
0x52: {  	_ =	shalt  }
0x53: {  	_ =	shalt  }
0x54: {  	_ =	shalt  }
0x55: {  	_ =	shalt  }
0x56: {  	_ =	shalt  }
0x57: {  	_ =	shalt  }
0x58: {  	_ =	shalt  }
0x59: {  	_ =	shalt  }
0x5a: {  	_ =	shalt  }
0x5b: {  	_ =	shalt  }
0x5c: {  	_ =	shalt  }
0x5d: {  	_ =	shalt  }
0x5e: {  	_ =	shalt  }
0x5f: {  	_ =	shalt  }
0x60: {  	_ =	shalt  }
0x61: {  	_ =	shalt  }
0x62: {  	_ =	shalt  }
0x63: {  	_ =	shalt  }
0x64: {  	_ =	shalt  }
0x65: {  	_ =	shalt  }
0x66: {  	_ =	shalt  }
0x67: {  	_ =	shalt  }
0x68: {  	_ =	shalt  }
0x69: {  	_ =	shalt  }
0x6a: {  	_ =	shalt  }
0x6b: {  	_ =	shalt  }
0x6c: {  	_ =	shalt  }
0x6d: {  	_ =	shalt  }
0x6e: {  	_ =	shalt  }
0x6f: {  	_ =	shalt  }
0x70: {  	_ =	shalt  }
0x71: {  	_ =	shalt  }
0x72: {  	_ =	shalt  }
0x73: {  	_ =	shalt  }
0x74: {  	_ =	shalt  }
0x75: {  	_ =	shalt  }
0x76: {  	_ =	shalt  }
0x77: {  	_ =	shalt  }
0x78: {  	_ =	shalt  }
0x79: {  	_ =	shalt  }
0x7a: {  	_ =	shalt  }
0x7b: {  	_ =	shalt  }
0x7c: {  	_ =	shalt  }
0x7d: {  	_ =	shalt  }
0x7e: {  	_ =	shalt  }
0x7f: {  	_ =	shalt  }
0x80: {  	_ =	shalt  }
0x81: {  	_ =	shalt  }
0x82: {  	_ =	shalt  }
0x83: {  	_ =	shalt  }
0x84: {  	_ =	shalt  }
0x85: {  	_ =	shalt  }
0x86: {  	_ =	shalt  }
0x87: {  	_ =	shalt  }
.Lfunc_end0:
.L_simem_size_0:
called_computation_lowered:
.L_overlay_start_0:
0x88: {  	s2 =	sld [smem:$0x3FD9]  }
0x89: {  	s3 =	sld [smem:$0x3FFE];
	_ =	sdelay $0x1  }
0x8a: {  	s1 =	srdreg.scid  }
0x8b: {  	s0 =	sand.u32 $0x1, s1  }
0x8c: {  	s17 =	sshll.u32 s0, $0xA;
	s2 =	sadd.s32 s3, s2  }
0x8d: {  	s2 =	sadd.s32 s2, s17  }
0x8e: {  	[smem:$0x3FBD] =	sst s2  }
0x8f: {  	_ = 	snop  }
0x90: {  	s2 =	sld [smem:$0x3FC9];
	(tm) =	ssettm $0x1  }
0x91: {  	s18 =	sld [smem:$0x3FFB];
	_ =	sdelay $0x3  }
0x92: {  	_ =	strace s18  }
0x93: {  	s3 =	sld [smem:$0x3FFC];
	_ =	sdelay $0x3  }
0x94: {  	_ =	strace s3  }
0x95: {  	s3 =	sld [smem:$0x3FFD];
	_ =	sdelay $0x3  }
0x96: {  	_ =	strace s3  }
0x97: {  	_ =	strace $0x8FFFFFFF  }
0x98: {  	s19 =	sld [smem:$0x3FDB];
	_ =	sdelay $0x1  }
0x99: {  	s4 =	simm.s32 $_scs_section_size  }
0x9a: {  	s5 =	simm.s32 $_size__tile_overlayer_lowered;
	s6 =	simm.s32 $_tile_overlayer_lowered  }
0x9b: {  	s22 =	simm.s32 $0x1BFF;
	s21 =	sshll.u32 s6, $0x1;
	s3 =	sadd.s32 s4, s19  }
0x9c: {  	s7 =	simm.s32 $0x0;
	s20 =	sshll.u32 s5, $0x1;
	s5 =	sadd.s32 s21, s3  }
0x9d: {  	[timem:s7], [sflag:s22] =	dma.local [hbm:s5], s20  }
0x9e: {  	_ =	swait.ge [sflag:s22], s20  }
0x9f: {  	s4 =	ssub.s32 $0x0, s20;
	[sflag:s22] =	ssyncset.done $0x0  }
0xa0: {  	[sflag:s22] =	ssyncadd.s32 s4;
	_ =	sdelay $0x1  }
0xa1: {  	s23 =	simm.s32 $0x1B8B  }
0xa2: {  	_ =	swait.ge [sflag:s23], $0x1  }
0xa3: {  	[sflag:s23] =	ssyncset.done $0x0  }
0xa4: {  	s25 =	simm.s32 $0x1B8E;
	s24 =	sld [smem:$0x3FFE];
	[sflag:s23] =	ssyncadd.s32 $0xFFFFFFFF  }
0xa5: {  	s26 =	simm.s32 $execute0_lowered;
	[smem:$0x3FD2] =	sst s25  }
0xa6: {  	s5 =	sshll.u32 s26, $0x1;
	_ =	strace $0x80000046;
	[dreg:$0x1] =	wrdreg $0xFFFFFFFF  }
0xa7: {  	s28 =	simm.s32 $_size_execute0_lowered;
	s3 =	sadd.s32 s3, s5;
	[dreg:$0x0] =	wrdreg $0x0  }
0xa8: {  	s5 =	sshll.u32 s28, $0x1;
	[dreg:$0x2] =	wrdreg s3  }
0xa9: {  	[dreg:$0x3] =	wrdreg s5  }
0xaa: {  	[dreg:$0x4] =	wrdreg $0xC0  }
0xab: {  	_ =	task [dreg:s7], $0x5FFFF  }
0xac: {  	[dreg:$0x1] =	wrdreg $0xFFFFFFFF  }
0xad: {  	[dreg:$0x0] =	wrdreg $0x60  }
0xae: {  	[dreg:$0x2] =	wrdreg s2  }
0xaf: {  	[dreg:$0x3] =	wrdreg s24  }
0xb0: {  	[dreg:$0x4] =	wrdreg $0x9  }
0xb1: {  	_ =	task.clear_ibuf [dreg:s7], $0x5FFFF;
	_ =	strace $0x90000046  }
0xb2: {  	s29 =	simm.s32 $0x9;
	_ =	strace $0x80000048  }
0xb3: {  	_ =	swait.ge [sflag:s29], $0x1  }
0xb4: {  	[sflag:s29] =	ssyncadd.s32 $0xFFFFFFFF  }
0xb5: {  	_ =	strace $0x90000048  }
0xb6: {  	_ =	sfence  }
0xb7: {  	s30 =	sld [smem:$0x0];
	_ =	sdelay $0x2  }
0xb8: {  	s31 =	sshll.u32 s1, $0xD;
	s1 =	sshrl.u32 s1, $0x2  }
0xb9: {  	s3 =	sand.u32 $0x4000, s31;
	s1 =	sadd.s32 s1, s30  }
0xba: {  	s0 =	sor.u32 s3, s0;
	s1 =	sshll.u32 s1, $0x11  }
0xbb: {  	s0 =	sor.u32 s1, s0  }
0xbc: {  	s0 =	sadd.s32 $0x8F2B, s0  }
0xbd: {  	[sflag:s0] =	ssyncadd.remote.s32 $0x1  }
0xbe: {  	_ =	sfence.sel $0xFFFF  }
0xbf: {  	[dreg:$0x0] =	wrdreg $0xFFFFFFFF;
	(pc) =	sbr.abs _section_cstart, $3  }
0xc0: {  	[dreg:$0x1] =	wrdreg $0xFFFFFFFF  }
0xc1: {  	_ =	task.clear_ibuf [dreg:s7], $0x2FFFF;
	_ =	strace $0x9FFFFFFF  }
0xc2: {  	(tm) =	ssettm $0x7FFFFFFF  }
0xc3: {  	_ =	shalt  }
tec
execute0_lowered:
.L_overlay_start_1:
0x0: {  	(tag) =	ssettag $0x1  }
0x1: {  	s0 =	srdreg.scid;
	s2 =	rddreg [dreg:$0x0]  }
0x2: {  	s1 =	stileid.u32;
	s5 =	rddreg [dreg:$0x1]  }
0x3: {  	s3 =	simm.s32 $0x0;
	s31 =	simm.s32 $0x1;
	s21 =	simm.s32 $0xA200  }
0x4: {  	s24 =	simm.s32 $0xAA00;
	s30 =	simm.s32 $0xBA00;
	s28 =	simm.s32 $0xD200  }
0x5: {  	s29 =	simm.s32 $0xDA00;
	s0 =	sand.u32 $0x1, s0;
	s1 =	sshll.u32 s1, $0x1  }
0x6: {  	[smem:$0x7FF] =	sst s3;
	s8 =	sadd.s32 $0x200, s2;
	s9 =	sadd.s32 $0x300, s2  }
0x7: {  	s10 =	sadd.s32 $0x400, s2;
	s11 =	sadd.s32 $0x500, s2;
	s12 =	sadd.s32 $0x600, s2  }
0x8: {  	s13 =	sadd.s32 $0x700, s2;
	s14 =	sadd.s32 $0x6F00, s5;
	s15 =	sadd.s32 $0x7000, s5  }
0x9: {  	s16 =	sadd.s32 $0x7100, s5;
	s17 =	sadd.s32 $0x7200, s5;
	s18 =	sadd.s32 $0x7300, s5  }
0xa: {  	s19 =	sadd.s32 $0x7400, s5;
	s20 =	sadd.s32 $0x7500, s5;
	s1 =	sor.u32 s0, s1  }
0xb: {  	_ =	strace $0x80000047;
	s0 =	ssub.s32 $0x2, s0;
	s4 =	sshll.u32 s1, $0x9  }
0xc: {  	s1 =	sshll.u32 s1, $0x7;
	s7 =	sshrl.u32 s0, $0x1;
	s6 =	sand.u32 $0x3000, s4  }
0xd: {  	s1 =	sand.u32 $0x380, s1;
	s25 =	sadd.s32 s4, s5;
	s4 =	sadd.s32 $0x6E00, s5  }
0xe: {  	s0 =	ssub.s32 s0, s7;
	s7 =	sadd.s32 $0x100, s2;
	s1 =	sor.u32 s1, s6  }
0xf: {  	s26 =	sadd.s32 $0x2E00, s25;
	s0 =	smax.u32 s0, $0x1;
	s1 =	sshrl.u32 s1, $0x3  }
0x10: {  	v2 =	vlaneseq.u32;
	s25 =	simm.s32 $0x1200;
	[dreg:$0x4] =	wrdreg s26;
	s1 =	sadd.s32 s1, s5  }
0x11: {  	vm0 =	vmmov $0xffff;
	v1 =	vshrl.u32 v2, $0x3;
	s6 =	simm.s32 $0x9A00;
	[dreg:$0x5] =	wrdreg s0;
	s1 =	sadd.s32 $0x1C00, s1  }
0x12: {  	v0 =	vand.u32 $0x7, v2;
	v2 =	vor.u32 $0x8, v2;
	v1 =	vmul.u32 $0x8, v1;
	s26 =	simm.s32 $0xB200;
	s5 =	simm.s32 $0x0;
	[dreg:$0x3] =	wrdreg s1  }
.LBB2_1:
0x13: {  	[dreg:$0x6] =	wrdreg s5  }
0x14: {  	s0 =	rddreg [dreg:$0x3]  }
0x15: {  	s22 =	simm.s32 $0x80;
	s23 =	simm.s32 $0x400;
	s5 =	simm.s32 $0x3  }
0x16: {  	[tilespmem:s3], [sflag:$0x3] =	stream.strided.gather [hbm4b:s0+s22], $0x200, s23, s22, $0x38;
	[tilespmem:$0x11200] =	vst v63  }
0x17: {  	_ =	swait.ge [sflag:s5], $0x200  }
0x18: {  	[sflag:s5] =	ssyncset.done $0x0  }
0x19: {  	s1 =	simm.s32 $0x200;
	s23 =	rddreg [dreg:$0x4];
	[sflag:s5] =	ssyncadd.s32 $0xFFFFFE00  }
0x1a: {  	[tilespmem:s1], [sflag:$0x3] =	stream.linear.gather [hbm4b:s23+s3], $0x1000, $0x38;
	[tilespmem:$0x11200] =	vst v63  }
0x1b: {  	_ =	swait.ge [sflag:s5], $0x1000  }
0x1c: {  	[sflag:s5] =	ssyncset.done $0x0  }
0x1d: {  	[sflag:s5] =	ssyncadd.s32 $0xFFFFF000  }
0x1e: {  	v3 =	vld [tilespmem:$0x0];
	_ =	sdelay $0x4  }
0x1f: {  	v4 =	vshll.u32 v3, $0x4  }
0x20: {  	v3 =	vand.u32 $0x7, v3;
	v4 =	vand.u32 $0xFFFFFF80, v4  }
0x21: {  	v3 =	vor.u32 v3, v4  }
0x22: {  	v4 =	vperm.xlane v3, v0;
	_ =	sdelay $0x1  }
0x23: {  	v4 =	vadd.s32 v1, v4;
	_ =	sdelay $0x4  }
0x24: {  	[tilespmem:s25], [sflag:$0x1] =	stream.indirect_vreg.gather [hbm4b:s2+s3], $0x80, v4, vm0, $0xb8;
	[tilespmem:$0x11200] =	vst v63  }
0x25: {  	s5 =	simm.s32 $0x1A00  }
0x26: {  	[tilespmem:s5], [sflag:$0x1] =	stream.indirect_vreg.gather [hbm4b:s7+s3], $0x80, v4, vm0, $0xb8;
	[tilespmem:$0x11200] =	vst v63  }
0x27: {  	s22 =	simm.s32 $0x2200  }
0x28: {  	[tilespmem:s22], [sflag:$0x1] =	stream.indirect_vreg.gather [hbm4b:s8+s3], $0x80, v4, vm0, $0xb8;
	[tilespmem:$0x11200] =	vst v63  }
0x29: {  	s23 =	simm.s32 $0x2A00  }
0x2a: {  	[tilespmem:s23], [sflag:$0x1] =	stream.indirect_vreg.gather [hbm4b:s9+s3], $0x80, v4, vm0, $0xb8;
	[tilespmem:$0x11200] =	vst v63  }
0x2b: {  	s1 =	simm.s32 $0x3200  }
0x2c: {  	[tilespmem:s1], [sflag:$0x1] =	stream.indirect_vreg.gather [hbm4b:s10+s3], $0x80, v4, vm0, $0xb8;
	[tilespmem:$0x11200] =	vst v63  }
0x2d: {  	v3 =	vperm.xlane v3, v2;
	s5 =	simm.s32 $0x3A00  }
0x2e: {  	[tilespmem:s5], [sflag:$0x1] =	stream.indirect_vreg.gather [hbm4b:s11+s3], $0x80, v4, vm0, $0xb8;
	[tilespmem:$0x11200] =	vst v63  }
0x2f: {  	v3 =	vadd.s32 v1, v3;
	s22 =	simm.s32 $0x4200  }
0x30: {  	[tilespmem:s22], [sflag:$0x1] =	stream.indirect_vreg.gather [hbm4b:s12+s3], $0x80, v4, vm0, $0xb8;
	[tilespmem:$0x11200] =	vst v63  }
0x31: {  	s23 =	simm.s32 $0x4A00  }
0x32: {  	[tilespmem:s23], [sflag:$0x1] =	stream.indirect_vreg.gather [hbm4b:s13+s3], $0x80, v4, vm0, $0xb8;
	[tilespmem:$0x11200] =	vst v63  }
0x33: {  	s1 =	simm.s32 $0x5200  }
0x34: {  	[tilespmem:s1], [sflag:$0x1] =	stream.indirect_vreg.gather [hbm4b:s2+s3], $0x80, v3, vm0, $0xb8;
	[tilespmem:$0x11200] =	vst v63  }
0x35: {  	s5 =	simm.s32 $0x5A00  }
0x36: {  	[tilespmem:s5], [sflag:$0x1] =	stream.indirect_vreg.gather [hbm4b:s7+s3], $0x80, v3, vm0, $0xb8;
	[tilespmem:$0x11200] =	vst v63  }
0x37: {  	s22 =	simm.s32 $0x6200  }
0x38: {  	[tilespmem:s22], [sflag:$0x1] =	stream.indirect_vreg.gather [hbm4b:s8+s3], $0x80, v3, vm0, $0xb8;
	[tilespmem:$0x11200] =	vst v63  }
0x39: {  	s23 =	simm.s32 $0x6A00  }
0x3a: {  	[tilespmem:s23], [sflag:$0x1] =	stream.indirect_vreg.gather [hbm4b:s9+s3], $0x80, v3, vm0, $0xb8;
	[tilespmem:$0x11200] =	vst v63  }
0x3b: {  	s1 =	simm.s32 $0x7200  }
0x3c: {  	[tilespmem:s1], [sflag:$0x1] =	stream.indirect_vreg.gather [hbm4b:s10+s3], $0x80, v3, vm0, $0xb8;
	[tilespmem:$0x11200] =	vst v63  }
0x3d: {  	s5 =	simm.s32 $0x7A00  }
0x3e: {  	[tilespmem:s5], [sflag:$0x1] =	stream.indirect_vreg.gather [hbm4b:s11+s3], $0x80, v3, vm0, $0xb8;
	[tilespmem:$0x11200] =	vst v63  }
0x3f: {  	s22 =	simm.s32 $0x8200  }
0x40: {  	[tilespmem:s22], [sflag:$0x1] =	stream.indirect_vreg.gather [hbm4b:s12+s3], $0x80, v3, vm0, $0xb8;
	[tilespmem:$0x11200] =	vst v63  }
0x41: {  	s0 =	simm.s32 $0x280;
	s23 =	simm.s32 $0x8A00;
	s22 =	simm.s32 $0x0  }
0x42: {  	[tilespmem:s23], [sflag:$0x1] =	stream.indirect_vreg.gather [hbm4b:s13+s3], $0x80, v3, vm0, $0xb8;
	[tilespmem:$0x11200] =	vst v63  }
.LBB2_2:
0x43: {  	p0 =	seq.s32 s22, $0x0  }
0x44: {  	s23 =	simm.s32 @!p0 $0x2  }
0x45: {  	_ =	swait.ge @!p0 [sflag:s23], $0x8000  }
0x46: {  	[sflag:s23] =	ssyncset.done @!p0 $0x0  }
0x47: {  	s5 =	sshra.s32 s22, $0x2;
	[sflag:s23] =	ssyncadd.s32 @!p0 $0xFFFF8000  }
0x48: {  	v3 =	vld [tilespmem:s5+$0x10];
	_ =	sdelay $0x4  }
0x49: {  	v4 =	vshll.u32 v3, $0x4  }
0x4a: {  	v3 =	vand.u32 $0x7, v3;
	v4 =	vand.u32 $0xFFFFFF80, v4  }
0x4b: {  	v3 =	vor.u32 v3, v4  }
0x4c: {  	v4 =	vperm.xlane v3, v0;
	_ =	sdelay $0x1  }
0x4d: {  	v4 =	vadd.s32 v1, v4;
	_ =	sdelay $0x3  }
0x4e: {  	s5 =	simm.s32 $0x9200  }
0x4f: {  	[tilespmem:s5], [sflag:$0x1] =	stream.indirect_vreg.gather [hbm4b:s2+s3], $0x80, v4, vm0, $0xb8;
	[tilespmem:$0x11200] =	vst v63  }
0x50: {  	_ = 	snop  }
0x51: {  	[tilespmem:s6], [sflag:$0x1] =	stream.indirect_vreg.gather [hbm4b:s7+s3], $0x80, v4, vm0, $0xb8;
	[tilespmem:$0x11200] =	vst v63  }
0x52: {  	_ = 	snop  }
0x53: {  	[tilespmem:s21], [sflag:$0x1] =	stream.indirect_vreg.gather [hbm4b:s8+s3], $0x80, v4, vm0, $0xb8;
	[tilespmem:$0x11200] =	vst v63  }
0x54: {  	_ = 	snop  }
0x55: {  	[tilespmem:s24], [sflag:$0x1] =	stream.indirect_vreg.gather [hbm4b:s9+s3], $0x80, v4, vm0, $0xb8;
	[tilespmem:$0x11200] =	vst v63  }
0x56: {  	_ = 	snop  }
0x57: {  	[tilespmem:s26], [sflag:$0x1] =	stream.indirect_vreg.gather [hbm4b:s10+s3], $0x80, v4, vm0, $0xb8;
	[tilespmem:$0x11200] =	vst v63  }
0x58: {  	v3 =	vperm.xlane v3, v2  }
0x59: {  	[tilespmem:s30], [sflag:$0x1] =	stream.indirect_vreg.gather [hbm4b:s11+s3], $0x80, v4, vm0, $0xb8;
	[tilespmem:$0x11200] =	vst v63  }
0x5a: {  	s1 =	simm.s32 $0xC200;
	v3 =	vadd.s32 v1, v3  }
0x5b: {  	[tilespmem:s1], [sflag:$0x1] =	stream.indirect_vreg.gather [hbm4b:s12+s3], $0x80, v4, vm0, $0xb8;
	[tilespmem:$0x11200] =	vst v63  }
0x5c: {  	s23 =	simm.s32 $0xCA00  }
0x5d: {  	[tilespmem:s23], [sflag:$0x1] =	stream.indirect_vreg.gather [hbm4b:s13+s3], $0x80, v4, vm0, $0xb8;
	[tilespmem:$0x11200] =	vst v63  }
0x5e: {  	_ = 	snop  }
0x5f: {  	[tilespmem:s28], [sflag:$0x1] =	stream.indirect_vreg.gather [hbm4b:s2+s3], $0x80, v3, vm0, $0xb8;
	[tilespmem:$0x11200] =	vst v63  }
0x60: {  	_ = 	snop  }
0x61: {  	[tilespmem:s29], [sflag:$0x1] =	stream.indirect_vreg.gather [hbm4b:s7+s3], $0x80, v3, vm0, $0xb8;
	[tilespmem:$0x11200] =	vst v63  }
0x62: {  	s23 =	simm.s32 $0xE200  }
0x63: {  	[tilespmem:s23], [sflag:$0x1] =	stream.indirect_vreg.gather [hbm4b:s8+s3], $0x80, v3, vm0, $0xb8;
	[tilespmem:$0x11200] =	vst v63  }
0x64: {  	s23 =	simm.s32 $0xEA00  }
0x65: {  	[tilespmem:s23], [sflag:$0x1] =	stream.indirect_vreg.gather [hbm4b:s9+s3], $0x80, v3, vm0, $0xb8;
	[tilespmem:$0x11200] =	vst v63  }
0x66: {  	s23 =	simm.s32 $0xF200  }
0x67: {  	[tilespmem:s23], [sflag:$0x1] =	stream.indirect_vreg.gather [hbm4b:s10+s3], $0x80, v3, vm0, $0xb8;
	[tilespmem:$0x11200] =	vst v63  }
0x68: {  	s23 =	simm.s32 $0xFA00  }
0x69: {  	[tilespmem:s23], [sflag:$0x1] =	stream.indirect_vreg.gather [hbm4b:s11+s3], $0x80, v3, vm0, $0xb8;
	[tilespmem:$0x11200] =	vst v63  }
0x6a: {  	s23 =	simm.s32 $0x10200  }
0x6b: {  	[tilespmem:s23], [sflag:$0x1] =	stream.indirect_vreg.gather [hbm4b:s12+s3], $0x80, v3, vm0, $0xb8;
	[tilespmem:$0x11200] =	vst v63  }
0x6c: {  	s23 =	simm.s32 $0x10A00  }
0x6d: {  	[tilespmem:s23], [sflag:$0x1] =	stream.indirect_vreg.gather [hbm4b:s13+s3], $0x80, v3, vm0, $0xb8;
	[tilespmem:$0x11200] =	vst v63  }
0x6e: {  	_ =	swait.ge [sflag:s31], $0x8000  }
0x6f: {  	[sflag:s31] =	ssyncset.done $0x0  }
0x70: {  	[sflag:s31] =	ssyncadd.s32 $0xFFFF8000  }
0x71: {  	v3 =	vld [tilespmem:s0+$0xFFFFFF80];
	_ =	sdelay $0x4  }
0x72: {  	v62 =	vshll.u32 v3, $0x4  }
0x73: {  	v3 =	vand.u32 $0x7, v3;
	v4 =	vand.u32 $0xFFFFFF80, v62  }
0x74: {  	v3 =	vor.u32 v3, v4  }
0x75: {  	v4 =	vperm.xlane v3, v0;
	_ =	sdelay $0x1  }
0x76: {  	v4 =	vadd.s32 v1, v4;
	_ =	sdelay $0x4  }
0x77: {  	[hbm4b:s4+s3] =	stream.indirect_vreg.scatter [tilespmem:s25], [sflag:$0x2], $0x80, v4, vm0, $0xb8;
	[tilespmem:$0x11200] =	vst v63  }
0x78: {  	s25 =	simm.s32 $0x1A00  }
0x79: {  	[hbm4b:s14+s3] =	stream.indirect_vreg.scatter [tilespmem:s25], [sflag:$0x2], $0x80, v4, vm0, $0xb8;
	[tilespmem:$0x11200] =	vst v63  }
0x7a: {  	s25 =	simm.s32 $0x2200  }
0x7b: {  	[hbm4b:s15+s3] =	stream.indirect_vreg.scatter [tilespmem:s25], [sflag:$0x2], $0x80, v4, vm0, $0xb8;
	[tilespmem:$0x11200] =	vst v63  }
0x7c: {  	s25 =	simm.s32 $0x2A00  }
0x7d: {  	[hbm4b:s16+s3] =	stream.indirect_vreg.scatter [tilespmem:s25], [sflag:$0x2], $0x80, v4, vm0, $0xb8;
	[tilespmem:$0x11200] =	vst v63  }
0x7e: {  	s25 =	simm.s32 $0x3200  }
0x7f: {  	[hbm4b:s17+s3] =	stream.indirect_vreg.scatter [tilespmem:s25], [sflag:$0x2], $0x80, v4, vm0, $0xb8;
	[tilespmem:$0x11200] =	vst v63  }
0x80: {  	v3 =	vperm.xlane v3, v2;
	s25 =	simm.s32 $0x3A00  }
0x81: {  	[hbm4b:s18+s3] =	stream.indirect_vreg.scatter [tilespmem:s25], [sflag:$0x2], $0x80, v4, vm0, $0xb8;
	[tilespmem:$0x11200] =	vst v63  }
0x82: {  	v3 =	vadd.s32 v1, v3;
	s25 =	simm.s32 $0x4200  }
0x83: {  	[hbm4b:s19+s3] =	stream.indirect_vreg.scatter [tilespmem:s25], [sflag:$0x2], $0x80, v4, vm0, $0xb8;
	[tilespmem:$0x11200] =	vst v63  }
0x84: {  	s25 =	simm.s32 $0x4A00  }
0x85: {  	[hbm4b:s20+s3] =	stream.indirect_vreg.scatter [tilespmem:s25], [sflag:$0x2], $0x80, v4, vm0, $0xb8;
	[tilespmem:$0x11200] =	vst v63  }
0x86: {  	s25 =	simm.s32 $0x5200  }
0x87: {  	[hbm4b:s4+s3] =	stream.indirect_vreg.scatter [tilespmem:s25], [sflag:$0x2], $0x80, v3, vm0, $0xb8;
	[tilespmem:$0x11200] =	vst v63  }
0x88: {  	s25 =	simm.s32 $0x5A00  }
0x89: {  	[hbm4b:s14+s3] =	stream.indirect_vreg.scatter [tilespmem:s25], [sflag:$0x2], $0x80, v3, vm0, $0xb8;
	[tilespmem:$0x11200] =	vst v63  }
0x8a: {  	s25 =	simm.s32 $0x6200  }
0x8b: {  	[hbm4b:s15+s3] =	stream.indirect_vreg.scatter [tilespmem:s25], [sflag:$0x2], $0x80, v3, vm0, $0xb8;
	[tilespmem:$0x11200] =	vst v63  }
0x8c: {  	s25 =	simm.s32 $0x6A00  }
0x8d: {  	[hbm4b:s16+s3] =	stream.indirect_vreg.scatter [tilespmem:s25], [sflag:$0x2], $0x80, v3, vm0, $0xb8;
	[tilespmem:$0x11200] =	vst v63  }
0x8e: {  	s25 =	simm.s32 $0x7200  }
0x8f: {  	[hbm4b:s17+s3] =	stream.indirect_vreg.scatter [tilespmem:s25], [sflag:$0x2], $0x80, v3, vm0, $0xb8;
	[tilespmem:$0x11200] =	vst v63  }
0x90: {  	s25 =	simm.s32 $0x7A00  }
0x91: {  	[hbm4b:s18+s3] =	stream.indirect_vreg.scatter [tilespmem:s25], [sflag:$0x2], $0x80, v3, vm0, $0xb8;
	[tilespmem:$0x11200] =	vst v63  }
0x92: {  	s25 =	simm.s32 $0x8200  }
0x93: {  	[hbm4b:s19+s3] =	stream.indirect_vreg.scatter [tilespmem:s25], [sflag:$0x2], $0x80, v3, vm0, $0xb8;
	[tilespmem:$0x11200] =	vst v63  }
0x94: {  	s25 =	simm.s32 $0x8A00  }
0x95: {  	[hbm4b:s20+s3] =	stream.indirect_vreg.scatter [tilespmem:s25], [sflag:$0x2], $0x80, v3, vm0, $0xb8;
	[tilespmem:$0x11200] =	vst v63  }
0x96: {  	s25 =	simm.s32 $0x2  }
0x97: {  	_ =	swait.ge [sflag:s25], $0x8000  }
0x98: {  	p0 =	seq.s32 s22, $0x780;
	[sflag:s25] =	ssyncset.done $0x0  }
0x99: {  	s23 =	sshra.s32 @!p0 s22, $0x2;
	[sflag:s25] =	ssyncadd.s32 $0xFFFF8000  }
0x9a: {  	v3 =	vld @!p0 [tilespmem:s23+$0x20];
	_ =	sdelay $0x4  }
0x9b: {  	v4 =	vshll.u32 @!p0 v3, $0x4  }
0x9c: {  	v5 =	vlaneseq.u32 @!p0;
	v3 =	vand.u32 @!p0 $0x7, v3;
	v4 =	vand.u32 @!p0 $0xFFFFFF80, v4  }
0x9d: {  	v6 =	vshrl.u32 @!p0 v5, $0x3;
	v3 =	vor.u32 @!p0 v3, v4;
	v4 =	vand.u32 @!p0 $0x7, v5  }
0x9e: {  	v6 =	vmul.u32 @!p0 $0x8, v6;
	v4 =	vperm.xlane @!p0 v3, v4;
	_ =	sdelay $0x1  }
0x9f: {  	v4 =	vadd.s32 @!p0 v6, v4;
	_ =	sdelay $0x3  }
0xa0: {  	vm1 =	vmmov @!p0 $0xffff;
	s25 =	simm.s32 @!p0 $0x1200;
	s23 =	simm.s32 @!p0 $0x0  }
0xa1: {  	[tilespmem:s25], [sflag:$0x1] =	stream.indirect_vreg.gather @!p0 [hbm4b:s2+s23], $0x80, v4, vm1, $0xb8;
	[tilespmem:$0x11200] =	vst v63  }
0xa2: {  	s25 =	simm.s32 @!p0 $0x1A00  }
0xa3: {  	[tilespmem:s25], [sflag:$0x1] =	stream.indirect_vreg.gather @!p0 [hbm4b:s7+s23], $0x80, v4, vm1, $0xb8;
	[tilespmem:$0x11200] =	vst v63  }
0xa4: {  	s25 =	simm.s32 @!p0 $0x2200  }
0xa5: {  	[tilespmem:s25], [sflag:$0x1] =	stream.indirect_vreg.gather @!p0 [hbm4b:s8+s23], $0x80, v4, vm1, $0xb8;
	[tilespmem:$0x11200] =	vst v63  }
0xa6: {  	s25 =	simm.s32 @!p0 $0x2A00  }
0xa7: {  	[tilespmem:s25], [sflag:$0x1] =	stream.indirect_vreg.gather @!p0 [hbm4b:s9+s23], $0x80, v4, vm1, $0xb8;
	[tilespmem:$0x11200] =	vst v63  }
0xa8: {  	s25 =	simm.s32 @!p0 $0x3200  }
0xa9: {  	v5 =	vor.u32 @!p0 $0x8, v5;
	[tilespmem:s25], [sflag:$0x1] =	stream.indirect_vreg.gather @!p0 [hbm4b:s10+s23], $0x80, v4, vm1, $0xb8;
	[tilespmem:$0x11200] =	vst v63  }
0xaa: {  	v3 =	vperm.xlane @!p0 v3, v5;
	s25 =	simm.s32 @!p0 $0x3A00  }
0xab: {  	[tilespmem:s25], [sflag:$0x1] =	stream.indirect_vreg.gather @!p0 [hbm4b:s11+s23], $0x80, v4, vm1, $0xb8;
	[tilespmem:$0x11200] =	vst v63  }
0xac: {  	v3 =	vadd.s32 @!p0 v6, v3;
	s25 =	simm.s32 @!p0 $0x4200  }
0xad: {  	[tilespmem:s25], [sflag:$0x1] =	stream.indirect_vreg.gather @!p0 [hbm4b:s12+s23], $0x80, v4, vm1, $0xb8;
	[tilespmem:$0x11200] =	vst v63  }
0xae: {  	s25 =	simm.s32 @!p0 $0x4A00  }
0xaf: {  	[tilespmem:s25], [sflag:$0x1] =	stream.indirect_vreg.gather @!p0 [hbm4b:s13+s23], $0x80, v4, vm1, $0xb8;
	[tilespmem:$0x11200] =	vst v63  }
0xb0: {  	s25 =	simm.s32 @!p0 $0x5200  }
0xb1: {  	[tilespmem:s25], [sflag:$0x1] =	stream.indirect_vreg.gather @!p0 [hbm4b:s2+s23], $0x80, v3, vm1, $0xb8;
	[tilespmem:$0x11200] =	vst v63  }
0xb2: {  	s25 =	simm.s32 @!p0 $0x5A00  }
0xb3: {  	[tilespmem:s25], [sflag:$0x1] =	stream.indirect_vreg.gather @!p0 [hbm4b:s7+s23], $0x80, v3, vm1, $0xb8;
	[tilespmem:$0x11200] =	vst v63  }
0xb4: {  	s25 =	simm.s32 @!p0 $0x6200  }
0xb5: {  	[tilespmem:s25], [sflag:$0x1] =	stream.indirect_vreg.gather @!p0 [hbm4b:s8+s23], $0x80, v3, vm1, $0xb8;
	[tilespmem:$0x11200] =	vst v63  }
0xb6: {  	s25 =	simm.s32 @!p0 $0x6A00  }
0xb7: {  	[tilespmem:s25], [sflag:$0x1] =	stream.indirect_vreg.gather @!p0 [hbm4b:s9+s23], $0x80, v3, vm1, $0xb8;
	[tilespmem:$0x11200] =	vst v63  }
0xb8: {  	s25 =	simm.s32 @!p0 $0x7200  }
0xb9: {  	[tilespmem:s25], [sflag:$0x1] =	stream.indirect_vreg.gather @!p0 [hbm4b:s10+s23], $0x80, v3, vm1, $0xb8;
	[tilespmem:$0x11200] =	vst v63  }
0xba: {  	s25 =	simm.s32 @!p0 $0x7A00  }
0xbb: {  	[tilespmem:s25], [sflag:$0x1] =	stream.indirect_vreg.gather @!p0 [hbm4b:s11+s23], $0x80, v3, vm1, $0xb8;
	[tilespmem:$0x11200] =	vst v63  }
0xbc: {  	s25 =	simm.s32 @!p0 $0x8200  }
0xbd: {  	[tilespmem:s25], [sflag:$0x1] =	stream.indirect_vreg.gather @!p0 [hbm4b:s12+s23], $0x80, v3, vm1, $0xb8;
	[tilespmem:$0x11200] =	vst v63  }
0xbe: {  	s25 =	simm.s32 @!p0 $0x8A00  }
0xbf: {  	[tilespmem:s25], [sflag:$0x1] =	stream.indirect_vreg.gather @!p0 [hbm4b:s13+s23], $0x80, v3, vm1, $0xb8;
	[tilespmem:$0x11200] =	vst v63  }
0xc0: {  	_ =	swait.ge [sflag:s31], $0x8000  }
0xc1: {  	[sflag:s31] =	ssyncset.done $0x0  }
0xc2: {  	[sflag:s31] =	ssyncadd.s32 $0xFFFF8000  }
0xc3: {  	v3 =	vld [tilespmem:s0+$0x0];
	_ =	sdelay $0x4  }
0xc4: {  	v63 =	vshll.u32 v3, $0x4  }
0xc5: {  	v3 =	vand.u32 $0x7, v3;
	v4 =	vand.u32 $0xFFFFFF80, v63  }
0xc6: {  	v3 =	vor.u32 v3, v4  }
0xc7: {  	v4 =	vperm.xlane v3, v0;
	_ =	sdelay $0x1  }
0xc8: {  	v4 =	vadd.s32 v1, v4;
	_ =	sdelay $0x4  }
0xc9: {  	[hbm4b:s4+s3] =	stream.indirect_vreg.scatter [tilespmem:s5], [sflag:$0x2], $0x80, v4, vm0, $0xb8;
	[tilespmem:$0x11200] =	vst v63  }
0xca: {  	_ = 	snop  }
0xcb: {  	[hbm4b:s14+s3] =	stream.indirect_vreg.scatter [tilespmem:s6], [sflag:$0x2], $0x80, v4, vm0, $0xb8;
	[tilespmem:$0x11200] =	vst v63  }
0xcc: {  	_ = 	snop  }
0xcd: {  	[hbm4b:s15+s3] =	stream.indirect_vreg.scatter [tilespmem:s21], [sflag:$0x2], $0x80, v4, vm0, $0xb8;
	[tilespmem:$0x11200] =	vst v63  }
0xce: {  	_ = 	snop  }
0xcf: {  	[hbm4b:s16+s3] =	stream.indirect_vreg.scatter [tilespmem:s24], [sflag:$0x2], $0x80, v4, vm0, $0xb8;
	[tilespmem:$0x11200] =	vst v63  }
0xd0: {  	_ = 	snop  }
0xd1: {  	[hbm4b:s17+s3] =	stream.indirect_vreg.scatter [tilespmem:s26], [sflag:$0x2], $0x80, v4, vm0, $0xb8;
	[tilespmem:$0x11200] =	vst v63  }
0xd2: {  	v3 =	vperm.xlane v3, v2  }
0xd3: {  	[hbm4b:s18+s3] =	stream.indirect_vreg.scatter [tilespmem:s30], [sflag:$0x2], $0x80, v4, vm0, $0xb8;
	[tilespmem:$0x11200] =	vst v63  }
0xd4: {  	v3 =	vadd.s32 v1, v3  }
0xd5: {  	[hbm4b:s19+s3] =	stream.indirect_vreg.scatter [tilespmem:s1], [sflag:$0x2], $0x80, v4, vm0, $0xb8;
	[tilespmem:$0x11200] =	vst v63  }
0xd6: {  	s23 =	simm.s32 $0xCA00  }
0xd7: {  	[hbm4b:s20+s3] =	stream.indirect_vreg.scatter [tilespmem:s23], [sflag:$0x2], $0x80, v4, vm0, $0xb8;
	[tilespmem:$0x11200] =	vst v63  }
0xd8: {  	_ = 	snop  }
0xd9: {  	[hbm4b:s4+s3] =	stream.indirect_vreg.scatter [tilespmem:s28], [sflag:$0x2], $0x80, v3, vm0, $0xb8;
	[tilespmem:$0x11200] =	vst v63  }
0xda: {  	_ = 	snop  }
0xdb: {  	[hbm4b:s14+s3] =	stream.indirect_vreg.scatter [tilespmem:s29], [sflag:$0x2], $0x80, v3, vm0, $0xb8;
	[tilespmem:$0x11200] =	vst v63  }
0xdc: {  	s5 =	simm.s32 $0xE200  }
0xdd: {  	[hbm4b:s15+s3] =	stream.indirect_vreg.scatter [tilespmem:s5], [sflag:$0x2], $0x80, v3, vm0, $0xb8;
	[tilespmem:$0x11200] =	vst v63  }
0xde: {  	s23 =	simm.s32 $0xEA00  }
0xdf: {  	[hbm4b:s16+s3] =	stream.indirect_vreg.scatter [tilespmem:s23], [sflag:$0x2], $0x80, v3, vm0, $0xb8;
	[tilespmem:$0x11200] =	vst v63  }
0xe0: {  	s22 =	sadd.s32 $0x80, s22;
	s5 =	simm.s32 $0xF200  }
0xe1: {  	[hbm4b:s17+s3] =	stream.indirect_vreg.scatter [tilespmem:s5], [sflag:$0x2], $0x80, v3, vm0, $0xb8;
	[tilespmem:$0x11200] =	vst v63  }
0xe2: {  	p0 =	sne.s32 s22, $0x800;
	s23 =	simm.s32 $0xFA00  }
0xe3: {  	[hbm4b:s18+s3] =	stream.indirect_vreg.scatter [tilespmem:s23], [sflag:$0x2], $0x80, v3, vm0, $0xb8;
	[tilespmem:$0x11200] =	vst v63  }
.Ltmp0:
0xe4: {  	_ = 	snop;
	(pc) =	sbr.rel @p0 .LBB2_2-.Ltmp0, $4  }
0xe5: {  	s5 =	simm.s32 $0x10200  }
0xe6: {  	[hbm4b:s19+s3] =	stream.indirect_vreg.scatter [tilespmem:s5], [sflag:$0x2], $0x80, v3, vm0, $0xb8;
	[tilespmem:$0x11200] =	vst v63  }
0xe7: {  	s25 =	simm.s32 $0x1200;
	s0 =	sadd.s32 $0x100, s0;
	s23 =	simm.s32 $0x10A00  }
0xe8: {  	[hbm4b:s20+s3] =	stream.indirect_vreg.scatter [tilespmem:s23], [sflag:$0x2], $0x80, v3, vm0, $0xb8;
	[tilespmem:$0x11200] =	vst v63  }
0xe9: {  	s1 =	simm.s32 $0x2  }
0xea: {  	_ =	swait.ge [sflag:s1], $0x8000  }
0xeb: {  	s5 =	rddreg [dreg:$0x6]  }
0xec: {  	s0 =	rddreg [dreg:$0x5];
	s5 =	sadd.s32 $0x1, s5  }
0xed: {  	p0 =	sne.s32 s5, s0  }
.Ltmp1:
0xee: {  	_ = 	snop;
	(pc) =	sbr.rel @p0 .LBB2_1-.Ltmp1, $3  }
0xef: {  	_ =	sdelay $0x1  }
0xf0: {  	[sflag:s1] =	ssyncset.done $0x0  }
0xf1: {  	[sflag:s1] =	ssyncadd.s32 $0xFFFF8000  }
0xf2: {  	_ =	sfence.sel $0x180000  }
0xf3: {  	[bflag:$0x0] =	sbarrier.arrive $0xFFFF  }
0xf4: {  	_ =	strace $0x90000047  }
0xf5: {  	s0 =	stileid.u32;
	[bflag:$0x2] =	sbarrier.arrive $0xFFFF  }
0xf6: {  	p0 =	sne.s32 s0, $0x0;
	s0 =	rddreg [dreg:$0x2]  }
0xf7: {  	s0 =	sadd.s32 @!p0 $0x100000, s0  }
0xf8: {  	[sflag:s0] =	ssyncadd.tile.s32 @!p0 $0x1;
	_ =	shalt  }
.Lfunc_end2:
_tile_overlayer_lowered:
.L_overlay_start_2:
0xf9: {  	(tag) =	ssettag $0x2  }
0xfa: {  	s0 =	rddreg [dreg:$0x0];
	s2 =	stileid.u32  }
0xfb: {  	s1 =	rddreg [dreg:$0x1];
	p0 =	sne.s32 s2, $0x0  }
0xfc: {  	s3 =	rddreg [dreg:$0x2];
	[bflag:$0x3] =	sbarrier.arrive $0xFFFF;
	s2 =	simm.s32 @!p0 $0x1C03  }
0xfd: {  	[timem:s3], [sflag:s2] =	dma.local @!p0 [hbm:s0], s1  }
0xfe: {  	s0 =	simm.s32 @!p0 $0x3  }
0xff: {  	_ =	swait.ge @!p0 [sflag:s0], s1  }
0x100: {  	s1 =	ssub.s32 @!p0 $0x0, s1;
	[sflag:s0] =	ssyncset.done @!p0 $0x0  }
0x101: {  	[sflag:s0] =	ssyncadd.s32 @!p0 s1  }
0x102: {  	[bflag:$0x3] =	sbarrier.arrive $0xFFFF  }
0x103: {  	_ =	shalt  }

</sc_bundles>
